<compile_context>
chip_gen: v7x
topology: tpu7x:2x2x1
jax: 0.10.2.dev20260603
libtpu: 0.0.44.dev20260713+nightly
codegen_flags: <defaults>
</compile_context>

<pallas_src>
import functools

import jax
import jax.numpy as jnp
from jax import lax
from jax.experimental import pallas as pl
from jax.experimental.pallas import tpu as pltpu
from jax.experimental.pallas import tpu_sc as plsc

N = 10000
E = 320000
DIN = 128
DHID = 128
DH2 = DHID // 2
DOUT = 16

NC, NS = 2, 16
NW = NC * NS
CHUNK = 128
EC = E // CHUNK
NPAD = 10240
RPT = NPAD // NS

NCH_W, REM_W = EC // NW, EC % NW
NCH_S, REM_S = EC // NS, EC % NS

_MESH = plsc.VectorSubcoreMesh(core_axis_name="c", subcore_axis_name="s")




@functools.partial(
    pl.kernel,
    out_type=[jax.ShapeDtypeStruct((NPAD,), jnp.float32),
              jax.ShapeDtypeStruct((NPAD,), jnp.float32)],
    mesh=_MESH,
    scratch_types=[
        pltpu.VMEM((NCH_W, CHUNK), jnp.int32),
        pltpu.VMEM((CHUNK,), jnp.int32),
        pltpu.VMEM((CHUNK,), jnp.float32),
        pltpu.SemaphoreType.DMA,
        pltpu.VMEM_SHARED((NPAD,), jnp.float32),
    ],
    compiler_params=pltpu.CompilerParams(use_tc_tiling_on_sc=False),
)
def _deg_kernel(ei_hbm, zeros_hbm, out0_hbm, out1_hbm,
                didx_all, didx_e, ones_v, sem, acc):
    c = lax.axis_index("c")
    s = lax.axis_index("s")
    w = s * NC + c
    for i in range(CHUNK // 16):
        ones_v[pl.ds(i * 16, 16)] = jnp.ones((16,), jnp.float32)
    rs = s * RPT
    pltpu.sync_copy(zeros_hbm.at[pl.ds(rs, RPT)], acc.at[pl.ds(rs, RPT)])
    plsc.subcore_barrier()
    cbase = w * NCH_W + jnp.minimum(w, REM_W)
    pltpu.sync_copy(ei_hbm.at[1, pl.ds(cbase, NCH_W)], didx_all)

    def fire(j, carry):
        pltpu.async_copy(ones_v, acc.at[didx_all.at[j]], sem, add=True)
        return carry

    lax.fori_loop(0, NCH_W, fire, None)

    @pl.when(w < REM_W)
    def _():
        pltpu.sync_copy(ei_hbm.at[1, cbase + NCH_W], didx_e)
        pltpu.async_copy(ones_v, acc.at[didx_e], sem, add=True)

    def drain(j, carry):
        pltpu.make_async_copy(ones_v, acc.at[didx_e], sem).wait()
        return carry

    lax.fori_loop(0, NCH_W, drain, None)

    @pl.when(w < REM_W)
    def _():
        pltpu.make_async_copy(ones_v, acc.at[didx_e], sem).wait()

    plsc.subcore_barrier()

    @pl.when(c == 0)
    def _():
        pltpu.sync_copy(acc.at[pl.ds(rs, RPT)], out0_hbm.at[pl.ds(rs, RPT)])

    @pl.when(c == 1)
    def _():
        pltpu.sync_copy(acc.at[pl.ds(rs, RPT)], out1_hbm.at[pl.ds(rs, RPT)])


HSZ = NCH_W


def _edge_pipeline(tab, ei_hbm, acc,
                   sidx_all, didx_all, sidx_e, didx_e, rows0, rows1,
                   sem0, sem1, cbase, nstage, extra):
    for st in range(nstage):
        sb = cbase + st * HSZ
        pltpu.sync_copy(ei_hbm.at[0, pl.ds(sb, HSZ)], sidx_all)
        pltpu.sync_copy(ei_hbm.at[1, pl.ds(sb, HSZ)], didx_all)

        pltpu.async_copy(tab.at[sidx_all.at[0]], rows0, sem0)

        def body(jj, carry):
            j0 = 2 * jj
            j1 = j0 + 1
            pltpu.async_copy(tab.at[sidx_all.at[j1]], rows1, sem1)
            pltpu.make_async_copy(tab.at[sidx_all.at[j0]],
                                  rows0, sem0).wait()
            pltpu.sync_copy(rows0, acc.at[didx_all.at[j0]], add=True)

            @pl.when(jj < HSZ // 2 - 1)
            def _():
                pltpu.async_copy(tab.at[sidx_all.at[j0 + 2]], rows0, sem0)

            pltpu.make_async_copy(tab.at[sidx_all.at[j1]],
                                  rows1, sem1).wait()
            pltpu.sync_copy(rows1, acc.at[didx_all.at[j1]], add=True)
            return carry

        lax.fori_loop(0, HSZ // 2, body, None)

    @pl.when(extra)
    def _():
        pltpu.sync_copy(ei_hbm.at[0, cbase + nstage * HSZ], sidx_e)
        pltpu.sync_copy(ei_hbm.at[1, cbase + nstage * HSZ], didx_e)
        pltpu.async_copy(tab.at[sidx_e], rows0, sem0).wait()
        pltpu.sync_copy(rows0, acc.at[didx_e], add=True)


@functools.partial(
    pl.kernel,
    out_type=[jax.ShapeDtypeStruct((NPAD, DH2), jnp.float32),
              jax.ShapeDtypeStruct((NPAD, DH2), jnp.float32)],
    mesh=_MESH,
    scratch_types=[
        pltpu.VMEM((HSZ, CHUNK), jnp.int32),
        pltpu.VMEM((HSZ, CHUNK), jnp.int32),
        pltpu.VMEM((CHUNK,), jnp.int32),
        pltpu.VMEM((CHUNK,), jnp.int32),
        pltpu.VMEM((CHUNK, DH2), jnp.float32),
        pltpu.VMEM((CHUNK, DH2), jnp.float32),
        pltpu.SemaphoreType.DMA,
        pltpu.SemaphoreType.DMA,
        pltpu.VMEM_SHARED((NPAD, DH2), jnp.float32),
        pltpu.VMEM_SHARED((NPAD, DH2), jnp.float32),
    ],
    compiler_params=pltpu.CompilerParams(use_tc_tiling_on_sc=False),
)
def _prop128(tabl_hbm, tabr_hbm, ei_hbm, outl_hbm, outr_hbm,
             sidx_all, didx_all, sidx_e, didx_e, rows0, rows1, sem0, sem1,
             tab, acc):
    c = lax.axis_index("c")
    s = lax.axis_index("s")
    rs = s * RPT

    @pl.when(c == 0)
    def _():
        pltpu.sync_copy(tabl_hbm.at[pl.ds(rs, RPT)], tab.at[pl.ds(rs, RPT)])
        pltpu.sync_copy(tabl_hbm.at[pl.ds(rs, RPT)], acc.at[pl.ds(rs, RPT)])

    @pl.when(c == 1)
    def _():
        pltpu.sync_copy(tabr_hbm.at[pl.ds(rs, RPT)], tab.at[pl.ds(rs, RPT)])
        pltpu.sync_copy(tabr_hbm.at[pl.ds(rs, RPT)], acc.at[pl.ds(rs, RPT)])

    plsc.subcore_barrier()
    cbase = s * NCH_S + jnp.minimum(s, REM_S)
    _edge_pipeline(tab, ei_hbm, acc,
                   sidx_all, didx_all, sidx_e, didx_e, rows0, rows1,
                   sem0, sem1, cbase, NCH_S // HSZ, s < REM_S)
    plsc.subcore_barrier()

    @pl.when(c == 0)
    def _():
        pltpu.sync_copy(acc.at[pl.ds(rs, RPT)], outl_hbm.at[pl.ds(rs, RPT)])

    @pl.when(c == 1)
    def _():
        pltpu.sync_copy(acc.at[pl.ds(rs, RPT)], outr_hbm.at[pl.ds(rs, RPT)])


@functools.partial(
    pl.kernel,
    out_type=[jax.ShapeDtypeStruct((NPAD, DOUT), jnp.float32),
              jax.ShapeDtypeStruct((NPAD, DOUT), jnp.float32)],
    mesh=_MESH,
    scratch_types=[
        pltpu.VMEM((NCH_W, CHUNK), jnp.int32),
        pltpu.VMEM((NCH_W, CHUNK), jnp.int32),
        pltpu.VMEM((CHUNK,), jnp.int32),
        pltpu.VMEM((CHUNK,), jnp.int32),
        pltpu.VMEM((CHUNK, DOUT), jnp.float32),
        pltpu.VMEM((CHUNK, DOUT), jnp.float32),
        pltpu.SemaphoreType.DMA,
        pltpu.SemaphoreType.DMA,
        pltpu.VMEM_SHARED((NPAD, DOUT), jnp.float32),
    ],
    compiler_params=pltpu.CompilerParams(use_tc_tiling_on_sc=False),
)
def _prop16(tab_hbm, ei_hbm, zeros_hbm, out0_hbm, out1_hbm,
            sidx_all, didx_all, sidx_e, didx_e, rows0, rows1, sem0, sem1,
            acc):
    c = lax.axis_index("c")
    s = lax.axis_index("s")
    w = s * NC + c
    rs = s * RPT

    @pl.when(c == 0)
    def _():
        pltpu.sync_copy(tab_hbm.at[pl.ds(rs, RPT)], acc.at[pl.ds(rs, RPT)])

    @pl.when(c == 1)
    def _():
        pltpu.sync_copy(zeros_hbm.at[pl.ds(rs, RPT)], acc.at[pl.ds(rs, RPT)])

    plsc.subcore_barrier()
    cbase = w * NCH_W + jnp.minimum(w, REM_W)
    _edge_pipeline(tab_hbm, ei_hbm, acc,
                   sidx_all, didx_all, sidx_e, didx_e, rows0, rows1,
                   sem0, sem1, cbase, 1, w < REM_W)
    plsc.subcore_barrier()

    @pl.when(c == 0)
    def _():
        pltpu.sync_copy(acc.at[pl.ds(rs, RPT)], out0_hbm.at[pl.ds(rs, RPT)])

    @pl.when(c == 1)
    def _():
        pltpu.sync_copy(acc.at[pl.ds(rs, RPT)], out1_hbm.at[pl.ds(rs, RPT)])



BLK = 2000


def _scale_mm_body(x_ref, w_ref, d0, d1, hl_ref, hr_ref, dinv_ref):
    deg = d0[...] + d1[...] + 1.0
    dinv = lax.rsqrt(deg)
    h = jnp.dot(x_ref[...], w_ref[...], preferred_element_type=jnp.float32)
    hhat = h * dinv
    hl_ref[...] = hhat[:, :DH2]
    hr_ref[...] = hhat[:, DH2:]
    dinv_ref[...] = dinv


def _scale_mm(x, w, deg0, deg1):
    return pl.pallas_call(
        _scale_mm_body,
        grid=(N // BLK,),
        in_specs=[
            pl.BlockSpec((BLK, DIN), lambda i: (i, 0)),
            pl.BlockSpec((DIN, DHID), lambda i: (0, 0)),
            pl.BlockSpec((BLK, 1), lambda i: (i, 0)),
            pl.BlockSpec((BLK, 1), lambda i: (i, 0)),
        ],
        out_specs=[
            pl.BlockSpec((BLK, DH2), lambda i: (i, 0)),
            pl.BlockSpec((BLK, DH2), lambda i: (i, 0)),
            pl.BlockSpec((BLK, 1), lambda i: (i, 0)),
        ],
        out_shape=[
            jax.ShapeDtypeStruct((NPAD, DH2), jnp.float32),
            jax.ShapeDtypeStruct((NPAD, DH2), jnp.float32),
            jax.ShapeDtypeStruct((N, 1), jnp.float32),
        ],
    )(x, w, deg0, deg1)


def _mid_body(al, ar, dinv_ref, wl_ref, wr_ref, b1_ref, hhat2_ref):
    dinv = dinv_ref[...]
    outl = al[...] * dinv + b1_ref[:, :DH2]
    outr = ar[...] * dinv + b1_ref[:, DH2:]
    h2 = (jnp.dot(outl, wl_ref[...], preferred_element_type=jnp.float32)
          + jnp.dot(outr, wr_ref[...], preferred_element_type=jnp.float32))
    hhat2_ref[...] = h2 * dinv


def _mid(accl, accr, dinv, w2, b1row):
    return pl.pallas_call(
        _mid_body,
        grid=(N // BLK,),
        in_specs=[
            pl.BlockSpec((BLK, DH2), lambda i: (i, 0)),
            pl.BlockSpec((BLK, DH2), lambda i: (i, 0)),
            pl.BlockSpec((BLK, 1), lambda i: (i, 0)),
            pl.BlockSpec((DH2, DOUT), lambda i: (0, 0)),
            pl.BlockSpec((DH2, DOUT), lambda i: (1, 0)),
            pl.BlockSpec((1, DHID), lambda i: (0, 0)),
        ],
        out_specs=pl.BlockSpec((BLK, DOUT), lambda i: (i, 0)),
        out_shape=jax.ShapeDtypeStruct((NPAD, DOUT), jnp.float32),
    )(accl, accr, dinv, w2, w2, b1row)


def _final_body(a0, a1, dinv_ref, b2_ref, out_ref):
    out_ref[...] = (a0[...] + a1[...]) * dinv_ref[...] + b2_ref[...]


def _final(acc2a, acc2b, dinv, b2row):
    return pl.pallas_call(
        _final_body,
        grid=(N // BLK,),
        in_specs=[
            pl.BlockSpec((BLK, DOUT), lambda i: (i, 0)),
            pl.BlockSpec((BLK, DOUT), lambda i: (i, 0)),
            pl.BlockSpec((BLK, 1), lambda i: (i, 0)),
            pl.BlockSpec((1, DOUT), lambda i: (0, 0)),
        ],
        out_specs=pl.BlockSpec((BLK, DOUT), lambda i: (i, 0)),
        out_shape=jax.ShapeDtypeStruct((N, DOUT), jnp.float32),
    )(acc2a, acc2b, dinv, b2row)




def kernel(x, edge_index, W1, b1, W2, b2):
    ei = edge_index.astype(jnp.int32).reshape(2, EC, CHUNK)
    zeros_n = jnp.zeros((NPAD,), jnp.float32)
    zeros_o = jnp.zeros((NPAD, DOUT), jnp.float32)

    dega, degb = _deg_kernel(ei, zeros_n)
    hhatl, hhatr, dinv = _scale_mm(x, W1, dega.reshape(NPAD, 1),
                                   degb.reshape(NPAD, 1))
    accl, accr = _prop128(hhatl, hhatr, ei)
    hhat2 = _mid(accl, accr, dinv, W2, b1.reshape(1, DHID))
    acc2a, acc2b = _prop16(hhat2, ei, zeros_o)
    return _final(acc2a, acc2b, dinv, b2.reshape(1, DOUT))

# --- scband reference (transcript-rebuilt; emitter-appended) ---
"""Pipeline reference for scband-simple-gnn-72267119722864 (READ-ONLY COPY).

The authoritative reference and input builder live on the scoring server;
editing this copy changes nothing except your own understanding.
"""

import jax, jax.numpy as jnp
import numpy as np

N_NODES = 10000
N_EDGES = 320000
D_IN = 128
D_HID = 128
D_OUT = 16


def setup_inputs(seed: int = 0) -> dict:
    key = jax.random.key(seed)
    k1, k2, k3, k4, k5, k6, k7 = jax.random.split(key, 7)
    x = jax.random.normal(k1, (N_NODES, D_IN), dtype=jnp.float32)
    edge_index = jax.random.randint(k2, (2, N_EDGES), 0, N_NODES, dtype=jnp.int64)
    W1 = jax.random.normal(k3, (D_IN, D_HID), dtype=jnp.float32) * (1.0 / np.sqrt(D_IN))
    b1 = jnp.zeros((D_HID,), dtype=jnp.float32)
    W2 = jax.random.normal(k4, (D_HID, D_OUT), dtype=jnp.float32) * (1.0 / np.sqrt(D_HID))
    b2 = jnp.zeros((D_OUT,), dtype=jnp.float32)
    return {"x": x, "edge_index": edge_index, "W1": W1, "b1": b1, "W2": W2, "b2": b2}


def _gcn_conv(x, edge_index, W, b, num_nodes):
    # GCNConv: out = D^{-1/2} (A + I) D^{-1/2} X W + b
    src = edge_index[0]
    dst = edge_index[1]
    loop = jnp.arange(num_nodes, dtype=src.dtype)
    src = jnp.concatenate([src, loop])
    dst = jnp.concatenate([dst, loop])
    h = x @ W
    ones = jnp.ones((src.shape[0],), dtype=h.dtype)
    deg = jax.ops.segment_sum(ones, dst, num_segments=num_nodes)
    deg_inv_sqrt = jnp.where(deg > 0, jax.lax.rsqrt(jnp.maximum(deg, 1e-12)), 0.0)
    norm = deg_inv_sqrt[src] * deg_inv_sqrt[dst]
    msg = h[src] * norm[:, None]
    out = jax.ops.segment_sum(msg, dst, num_segments=num_nodes)
    return out + b


def reference(x, edge_index, W1, b1, W2, b2):
    h = _gcn_conv(x, edge_index, W1, b1, N_NODES)
    out = _gcn_conv(h, edge_index, W2, b2, N_NODES)
    return out

if __name__ == "__main__":
    import jax
    _d = setup_inputs()
    print(jax.jit(kernel)(*tuple(_d.values())))

</pallas_src>

<mosaic_0001>
#map = affine_map<(d0, d1) -> (0, 0, 0)>
#map1 = affine_map<(d0, d1) -> (0)>
module attributes {stable_mosaic.version = 14 : i64} {
  func.func @_deg_kernel(%arg0: i32, %arg1: i32, %arg2: memref<2x2500x128xi32, #tpu.memory_space<hbm>>, %arg3: memref<10240xf32, #tpu.memory_space<hbm>>, %arg4: memref<10240xf32, #tpu.memory_space<hbm>>, %arg5: memref<10240xf32, #tpu.memory_space<hbm>>, %arg6: memref<78x128xi32, #tpu.memory_space<vmem>>, %arg7: memref<128xi32, #tpu.memory_space<vmem>>, %arg8: memref<128xf32, #tpu.memory_space<vmem>>, %arg9: memref<!tpu.dma_semaphore, #tpu.memory_space<semaphore_mem>>, %arg10: memref<10240xf32, #tpu.memory_space<vmem_shared>>) attributes {dimension_semantics = [#tpu.dimension_semantics<core_parallel>, #tpu.dimension_semantics<subcore_parallel>], iteration_bounds = array<i64: 2, 16>, scalar_prefetch = 0 : i64, scratch_operands = 5 : i64, tpu.core_type = #tpu.core_type<sc_vector_subcore>, window_params = [{transform_indices = #map}, {transform_indices = #map1}, {transform_indices = #map1}, {transform_indices = #map1}]} {
    %mul3A = arith.constant 2 : i32
    %mul3A_0 = arith.muli %arg1, %mul3A : i32
    %add3A = arith.addi %mul3A_0, %arg0 : i32
    %broadcast_in_dim3A = arith.constant 1.000000e+00 : f32
    %broadcast_in_dim3A_1 = vector.broadcast %broadcast_in_dim3A : f32 to vector<16xf32>
    %swap3A = arith.constant 0 : index
    %swap3A_2 = tpu.vector_load %arg8[%swap3A] {strides = array<i32>} : memref<128xf32, #tpu.memory_space<vmem>>, vector<16xf32>,
    %swap3A_3 = vector.shape_cast %swap3A_2 : vector<16xf32> to vector<16xf32>
    %swap3A_4 = vector.shape_cast %broadcast_in_dim3A_1 : vector<16xf32> to vector<16xf32>
    tpu.vector_store %arg8[%swap3A], %swap3A_4 {strides = array<i32>} : memref<128xf32, #tpu.memory_space<vmem>>, vector<16xf32>,
    %broadcast_in_dim3A_5 = arith.constant 1.000000e+00 : f32
    %broadcast_in_dim3A_6 = vector.broadcast %broadcast_in_dim3A_5 : f32 to vector<16xf32>
    %swap3A_7 = arith.constant 16 : index
    %swap3A_8 = tpu.vector_load %arg8[%swap3A_7] {strides = array<i32>} : memref<128xf32, #tpu.memory_space<vmem>>, vector<16xf32>,
    %swap3A_9 = vector.shape_cast %swap3A_8 : vector<16xf32> to vector<16xf32>
    %swap3A_10 = vector.shape_cast %broadcast_in_dim3A_6 : vector<16xf32> to vector<16xf32>
    tpu.vector_store %arg8[%swap3A_7], %swap3A_10 {strides = array<i32>} : memref<128xf32, #tpu.memory_space<vmem>>, vector<16xf32>,
    %broadcast_in_dim3A_11 = arith.constant 1.000000e+00 : f32
    %broadcast_in_dim3A_12 = vector.broadcast %broadcast_in_dim3A_11 : f32 to vector<16xf32>
    %swap3A_13 = arith.constant 32 : index
    %swap3A_14 = tpu.vector_load %arg8[%swap3A_13] {strides = array<i32>} : memref<128xf32, #tpu.memory_space<vmem>>, vector<16xf32>,
    %swap3A_15 = vector.shape_cast %swap3A_14 : vector<16xf32> to vector<16xf32>
    %swap3A_16 = vector.shape_cast %broadcast_in_dim3A_12 : vector<16xf32> to vector<16xf32>
    tpu.vector_store %arg8[%swap3A_13], %swap3A_16 {strides = array<i32>} : memref<128xf32, #tpu.memory_space<vmem>>, vector<16xf32>,
    %broadcast_in_dim3A_17 = arith.constant 1.000000e+00 : f32
    %broadcast_in_dim3A_18 = vector.broadcast %broadcast_in_dim3A_17 : f32 to vector<16xf32>
    %swap3A_19 = arith.constant 48 : index
    %swap3A_20 = tpu.vector_load %arg8[%swap3A_19] {strides = array<i32>} : memref<128xf32, #tpu.memory_space<vmem>>, vector<16xf32>,
    %swap3A_21 = vector.shape_cast %swap3A_20 : vector<16xf32> to vector<16xf32>
    %swap3A_22 = vector.shape_cast %broadcast_in_dim3A_18 : vector<16xf32> to vector<16xf32>
    tpu.vector_store %arg8[%swap3A_19], %swap3A_22 {strides = array<i32>} : memref<128xf32, #tpu.memory_space<vmem>>, vector<16xf32>,
    %broadcast_in_dim3A_23 = arith.constant 1.000000e+00 : f32
    %broadcast_in_dim3A_24 = vector.broadcast %broadcast_in_dim3A_23 : f32 to vector<16xf32>
    %swap3A_25 = arith.constant 64 : index
    %swap3A_26 = tpu.vector_load %arg8[%swap3A_25] {strides = array<i32>} : memref<128xf32, #tpu.memory_space<vmem>>, vector<16xf32>,
    %swap3A_27 = vector.shape_cast %swap3A_26 : vector<16xf32> to vector<16xf32>
    %swap3A_28 = vector.shape_cast %broadcast_in_dim3A_24 : vector<16xf32> to vector<16xf32>
    tpu.vector_store %arg8[%swap3A_25], %swap3A_28 {strides = array<i32>} : memref<128xf32, #tpu.memory_space<vmem>>, vector<16xf32>,
    %broadcast_in_dim3A_29 = arith.constant 1.000000e+00 : f32
    %broadcast_in_dim3A_30 = vector.broadcast %broadcast_in_dim3A_29 : f32 to vector<16xf32>
    %swap3A_31 = arith.constant 80 : index
    %swap3A_32 = tpu.vector_load %arg8[%swap3A_31] {strides = array<i32>} : memref<128xf32, #tpu.memory_space<vmem>>, vector<16xf32>,
    %swap3A_33 = vector.shape_cast %swap3A_32 : vector<16xf32> to vector<16xf32>
    %swap3A_34 = vector.shape_cast %broadcast_in_dim3A_30 : vector<16xf32> to vector<16xf32>
    tpu.vector_store %arg8[%swap3A_31], %swap3A_34 {strides = array<i32>} : memref<128xf32, #tpu.memory_space<vmem>>, vector<16xf32>,
    %broadcast_in_dim3A_35 = arith.constant 1.000000e+00 : f32
    %broadcast_in_dim3A_36 = vector.broadcast %broadcast_in_dim3A_35 : f32 to vector<16xf32>
    %swap3A_37 = arith.constant 96 : index
    %swap3A_38 = tpu.vector_load %arg8[%swap3A_37] {strides = array<i32>} : memref<128xf32, #tpu.memory_space<vmem>>, vector<16xf32>,
    %swap3A_39 = vector.shape_cast %swap3A_38 : vector<16xf32> to vector<16xf32>
    %swap3A_40 = vector.shape_cast %broadcast_in_dim3A_36 : vector<16xf32> to vector<16xf32>
    tpu.vector_store %arg8[%swap3A_37], %swap3A_40 {strides = array<i32>} : memref<128xf32, #tpu.memory_space<vmem>>, vector<16xf32>,
    %broadcast_in_dim3A_41 = arith.constant 1.000000e+00 : f32
    %broadcast_in_dim3A_42 = vector.broadcast %broadcast_in_dim3A_41 : f32 to vector<16xf32>
    %swap3A_43 = arith.constant 112 : index
    %swap3A_44 = tpu.vector_load %arg8[%swap3A_43] {strides = array<i32>} : memref<128xf32, #tpu.memory_space<vmem>>, vector<16xf32>,
    %swap3A_45 = vector.shape_cast %swap3A_44 : vector<16xf32> to vector<16xf32>
    %swap3A_46 = vector.shape_cast %broadcast_in_dim3A_42 : vector<16xf32> to vector<16xf32>
    tpu.vector_store %arg8[%swap3A_43], %swap3A_46 {strides = array<i32>} : memref<128xf32, #tpu.memory_space<vmem>>, vector<16xf32>,
    %mul3A_47 = arith.constant 640 : i32
    %mul3A_48 = arith.muli %arg1, %mul3A_47 : i32
    "tpu.region"() ({
      %run_scoped3A_79 = tpu.sem_alloc : memref<!tpu.dma_semaphore, #tpu.memory_space<semaphore_mem>>
      %dma_start3A = tpu.memref_slice %arg10[%mul3A_48] : memref<10240xf32, #tpu.memory_space<vmem_shared>> -> memref<640xf32, #tpu.memory_space<vmem_shared>>
      %dma_start3A_80 = tpu.memref_slice %arg3[%mul3A_48] : memref<10240xf32, #tpu.memory_space<hbm>> -> memref<640xf32, #tpu.memory_space<hbm>>
      tpu.enqueue_dma source(%dma_start3A_80 : memref<640xf32, #tpu.memory_space<hbm>>) target(%dma_start3A : memref<640xf32, #tpu.memory_space<vmem_shared>>) target_semaphore(%run_scoped3A_79 : memref<!tpu.dma_semaphore, #tpu.memory_space<semaphore_mem>>)
      %dma_wait3A = tpu.memref_slice %arg10[%mul3A_48] : memref<10240xf32, #tpu.memory_space<vmem_shared>> -> memref<640xf32, #tpu.memory_space<vmem_shared>>
      %dma_wait3A_81 = tpu.memref_slice %arg3[%mul3A_48] : memref<10240xf32, #tpu.memory_space<hbm>> -> memref<640xf32, #tpu.memory_space<hbm>>
      tpu.wait_dma2 semaphore(%run_scoped3A_79 : memref<!tpu.dma_semaphore, #tpu.memory_space<semaphore_mem>>) src(%dma_wait3A_81 : memref<640xf32, #tpu.memory_space<hbm>>) dst(%dma_wait3A : memref<640xf32, #tpu.memory_space<vmem_shared>>)
      tpu.yield
    }) : () -> ()
    %barrier3A = arith.constant 0 : index
    tpu.barrier barrier_id(%barrier3A)
    %mul3A_49 = arith.constant 78 : i32
    %mul3A_50 = arith.muli %add3A, %mul3A_49 : i32
    %min3A = arith.constant 4 : i32
    %min3A_51 = arith.minsi %add3A, %min3A : i32
    %add3A_52 = arith.addi %mul3A_50, %min3A_51 : i32
    %run_scoped3A = arith.constant 1 : i32
    "tpu.region"() ({
      %run_scoped3A_79 = tpu.sem_alloc : memref<!tpu.dma_semaphore, #tpu.memory_space<semaphore_mem>>
      %dma_start3A = arith.constant 0 : i32
      %dma_start3A_80 = tpu.memref_slice %arg2[%run_scoped3A, %add3A_52, %dma_start3A] : memref<2x2500x128xi32, #tpu.memory_space<hbm>> -> memref<1x78x128xi32, #tpu.memory_space<hbm>>
      %dma_start3A_81 = tpu.memref_squeeze %dma_start3A_80 : memref<1x78x128xi32, #tpu.memory_space<hbm>> -> memref<78x128xi32, #tpu.memory_space<hbm>>
      %dma_start3A_82 = arith.constant 0 : i32
      %dma_start3A_83 = tpu.memref_slice %arg2[%run_scoped3A, %add3A_52, %dma_start3A_82] : memref<2x2500x128xi32, #tpu.memory_space<hbm>> -> memref<1x78x128xi32, #tpu.memory_space<hbm>>
      %dma_start3A_84 = tpu.memref_squeeze %dma_start3A_83 : memref<1x78x128xi32, #tpu.memory_space<hbm>> -> memref<78x128xi32, #tpu.memory_space<hbm>>
      tpu.enqueue_dma source(%dma_start3A_84 : memref<78x128xi32, #tpu.memory_space<hbm>>) target(%arg6 : memref<78x128xi32, #tpu.memory_space<vmem>>) target_semaphore(%run_scoped3A_79 : memref<!tpu.dma_semaphore, #tpu.memory_space<semaphore_mem>>)
      %dma_wait3A = arith.constant 0 : i32
      %dma_wait3A_85 = tpu.memref_slice %arg2[%run_scoped3A, %add3A_52, %dma_wait3A] : memref<2x2500x128xi32, #tpu.memory_space<hbm>> -> memref<1x78x128xi32, #tpu.memory_space<hbm>>
      %dma_wait3A_86 = tpu.memref_squeeze %dma_wait3A_85 : memref<1x78x128xi32, #tpu.memory_space<hbm>> -> memref<78x128xi32, #tpu.memory_space<hbm>>
      %dma_wait3A_87 = arith.constant 0 : i32
      %dma_wait3A_88 = tpu.memref_slice %arg2[%run_scoped3A, %add3A_52, %dma_wait3A_87] : memref<2x2500x128xi32, #tpu.memory_space<hbm>> -> memref<1x78x128xi32, #tpu.memory_space<hbm>>
      %dma_wait3A_89 = tpu.memref_squeeze %dma_wait3A_88 : memref<1x78x128xi32, #tpu.memory_space<hbm>> -> memref<78x128xi32, #tpu.memory_space<hbm>>
      tpu.wait_dma2 semaphore(%run_scoped3A_79 : memref<!tpu.dma_semaphore, #tpu.memory_space<semaphore_mem>>) src(%dma_wait3A_89 : memref<78x128xi32, #tpu.memory_space<hbm>>) dst(%arg6 : memref<78x128xi32, #tpu.memory_space<vmem>>)
      tpu.yield
    }) : () -> ()
    %scan3A = arith.constant 0 : i32
    %scan3A_53 = arith.constant 78 : i32
    %scan3A_54 = arith.addi %scan3A, %scan3A_53 : i32
    %scan3A_55 = arith.constant 1 : i32
    scf.for %scan3A_79 = %scan3A to %scan3A_54 step %scan3A_55  : i32 {
      %dma_start3A = arith.constant 0 : i32
      %dma_start3A_80 = tpu.memref_slice %arg6[%scan3A_79, %dma_start3A] : memref<78x128xi32, #tpu.memory_space<vmem>> -> memref<1x128xi32, #tpu.memory_space<vmem>>
      %dma_start3A_81 = tpu.memref_squeeze %dma_start3A_80 : memref<1x128xi32, #tpu.memory_space<vmem>> -> memref<128xi32, #tpu.memory_space<vmem>>
      %dma_start3A_82 = arith.constant 0 : i32
      %dma_start3A_83 = tpu.memref_slice %arg10[%dma_start3A_82] : memref<10240xf32, #tpu.memory_space<vmem_shared>> -> memref<10240xf32, #tpu.memory_space<vmem_shared>>
      tpu.enqueue_indirect_dma source(%arg8 : memref<128xf32, #tpu.memory_space<vmem>>) target(%dma_start3A_83 : memref<10240xf32, #tpu.memory_space<vmem_shared>>) offsets(%dma_start3A_81 : memref<128xi32, #tpu.memory_space<vmem>>) semaphore(%arg9 : memref<!tpu.dma_semaphore, #tpu.memory_space<semaphore_mem>>) {add = true}
    }
    %scan3A_56 = arith.constant 78 : i32
    %lt3A = arith.constant 4 : i32
    %lt3A_57 = arith.cmpi slt, %add3A, %lt3A : i32
    %convert_element_type3A = arith.extui %lt3A_57 : i1 to i32
    %cond3A = arith.constant 0 : i32
    %cond3A_58 = arith.cmpi ne, %convert_element_type3A, %cond3A : i32
    scf.if %cond3A_58 {
      %add3A_79 = arith.constant 78 : i32
      %add3A_80 = arith.addi %add3A_52, %add3A_79 : i32
      %run_scoped3A_81 = arith.constant 1 : i32
      "tpu.region"() ({
        %run_scoped3A_83 = tpu.sem_alloc : memref<!tpu.dma_semaphore, #tpu.memory_space<semaphore_mem>>
        %dma_start3A_84 = arith.constant 0 : i32
        %dma_start3A_85 = tpu.memref_slice %arg2[%run_scoped3A_81, %add3A_80, %dma_start3A_84] : memref<2x2500x128xi32, #tpu.memory_space<hbm>> -> memref<1x1x128xi32, #tpu.memory_space<hbm>>
        %dma_start3A_86 = tpu.memref_squeeze %dma_start3A_85 : memref<1x1x128xi32, #tpu.memory_space<hbm>> -> memref<128xi32, #tpu.memory_space<hbm>>
        %dma_start3A_87 = arith.constant 0 : i32
        %dma_start3A_88 = tpu.memref_slice %arg2[%run_scoped3A_81, %add3A_80, %dma_start3A_87] : memref<2x2500x128xi32, #tpu.memory_space<hbm>> -> memref<1x1x128xi32, #tpu.memory_space<hbm>>
        %dma_start3A_89 = tpu.memref_squeeze %dma_start3A_88 : memref<1x1x128xi32, #tpu.memory_space<hbm>> -> memref<128xi32, #tpu.memory_space<hbm>>
        tpu.enqueue_dma source(%dma_start3A_89 : memref<128xi32, #tpu.memory_space<hbm>>) target(%arg7 : memref<128xi32, #tpu.memory_space<vmem>>) target_semaphore(%run_scoped3A_83 : memref<!tpu.dma_semaphore, #tpu.memory_space<semaphore_mem>>)
        %dma_wait3A = arith.constant 0 : i32
        %dma_wait3A_90 = tpu.memref_slice %arg2[%run_scoped3A_81, %add3A_80, %dma_wait3A] : memref<2x2500x128xi32, #tpu.memory_space<hbm>> -> memref<1x1x128xi32, #tpu.memory_space<hbm>>
        %dma_wait3A_91 = tpu.memref_squeeze %dma_wait3A_90 : memref<1x1x128xi32, #tpu.memory_space<hbm>> -> memref<128xi32, #tpu.memory_space<hbm>>
        %dma_wait3A_92 = arith.constant 0 : i32
        %dma_wait3A_93 = tpu.memref_slice %arg2[%run_scoped3A_81, %add3A_80, %dma_wait3A_92] : memref<2x2500x128xi32, #tpu.memory_space<hbm>> -> memref<1x1x128xi32, #tpu.memory_space<hbm>>
        %dma_wait3A_94 = tpu.memref_squeeze %dma_wait3A_93 : memref<1x1x128xi32, #tpu.memory_space<hbm>> -> memref<128xi32, #tpu.memory_space<hbm>>
        tpu.wait_dma2 semaphore(%run_scoped3A_83 : memref<!tpu.dma_semaphore, #tpu.memory_space<semaphore_mem>>) src(%dma_wait3A_94 : memref<128xi32, #tpu.memory_space<hbm>>) dst(%arg7 : memref<128xi32, #tpu.memory_space<vmem>>)
        tpu.yield
      }) : () -> ()
      %dma_start3A = arith.constant 0 : i32
      %dma_start3A_82 = tpu.memref_slice %arg10[%dma_start3A] : memref<10240xf32, #tpu.memory_space<vmem_shared>> -> memref<10240xf32, #tpu.memory_space<vmem_shared>>
      tpu.enqueue_indirect_dma source(%arg8 : memref<128xf32, #tpu.memory_space<vmem>>) target(%dma_start3A_82 : memref<10240xf32, #tpu.memory_space<vmem_shared>>) offsets(%arg7 : memref<128xi32, #tpu.memory_space<vmem>>) semaphore(%arg9 : memref<!tpu.dma_semaphore, #tpu.memory_space<semaphore_mem>>) {add = true}
    } else {
    }
    %scan3A_59 = arith.constant 0 : i32
    %scan3A_60 = arith.constant 78 : i32
    %scan3A_61 = arith.addi %scan3A_59, %scan3A_60 : i32
    %scan3A_62 = arith.constant 1 : i32
    scf.for %scan3A_79 = %scan3A_59 to %scan3A_61 step %scan3A_62  : i32 {
      %dma_wait3A = arith.constant 0 : i32
      %dma_wait3A_80 = tpu.memref_slice %arg10[%dma_wait3A] : memref<10240xf32, #tpu.memory_space<vmem_shared>> -> memref<10240xf32, #tpu.memory_space<vmem_shared>>
      tpu.wait_indirect_dma semaphore(%arg9 : memref<!tpu.dma_semaphore, #tpu.memory_space<semaphore_mem>>) src(%arg8 : memref<128xf32, #tpu.memory_space<vmem>>) dst(%dma_wait3A_80 : memref<10240xf32, #tpu.memory_space<vmem_shared>>)
    }
    %scan3A_63 = arith.constant 78 : i32
    %lt3A_64 = arith.constant 4 : i32
    %lt3A_65 = arith.cmpi slt, %add3A, %lt3A_64 : i32
    %convert_element_type3A_66 = arith.extui %lt3A_65 : i1 to i32
    %cond3A_67 = arith.constant 0 : i32
    %cond3A_68 = arith.cmpi ne, %convert_element_type3A_66, %cond3A_67 : i32
    scf.if %cond3A_68 {
      %dma_wait3A = arith.constant 0 : i32
      %dma_wait3A_79 = tpu.memref_slice %arg10[%dma_wait3A] : memref<10240xf32, #tpu.memory_space<vmem_shared>> -> memref<10240xf32, #tpu.memory_space<vmem_shared>>
      tpu.wait_indirect_dma semaphore(%arg9 : memref<!tpu.dma_semaphore, #tpu.memory_space<semaphore_mem>>) src(%arg8 : memref<128xf32, #tpu.memory_space<vmem>>) dst(%dma_wait3A_79 : memref<10240xf32, #tpu.memory_space<vmem_shared>>)
    } else {
    }
    %barrier3A_69 = arith.constant 0 : index
    tpu.barrier barrier_id(%barrier3A_69)
    %eq3A = arith.constant 0 : i32
    %eq3A_70 = arith.cmpi eq, %arg0, %eq3A : i32
    %convert_element_type3A_71 = arith.extui %eq3A_70 : i1 to i32
    %cond3A_72 = arith.constant 0 : i32
    %cond3A_73 = arith.cmpi ne, %convert_element_type3A_71, %cond3A_72 : i32
    scf.if %cond3A_73 {
      "tpu.region"() ({
        %run_scoped3A_79 = tpu.sem_alloc : memref<!tpu.dma_semaphore, #tpu.memory_space<semaphore_mem>>
        %dma_start3A = tpu.memref_slice %arg4[%mul3A_48] : memref<10240xf32, #tpu.memory_space<hbm>> -> memref<640xf32, #tpu.memory_space<hbm>>
        %dma_start3A_80 = tpu.memref_slice %arg10[%mul3A_48] : memref<10240xf32, #tpu.memory_space<vmem_shared>> -> memref<640xf32, #tpu.memory_space<vmem_shared>>
        tpu.enqueue_dma source(%dma_start3A_80 : memref<640xf32, #tpu.memory_space<vmem_shared>>) target(%dma_start3A : memref<640xf32, #tpu.memory_space<hbm>>) target_semaphore(%run_scoped3A_79 : memref<!tpu.dma_semaphore, #tpu.memory_space<semaphore_mem>>)
        %dma_wait3A = tpu.memref_slice %arg4[%mul3A_48] : memref<10240xf32, #tpu.memory_space<hbm>> -> memref<640xf32, #tpu.memory_space<hbm>>
        %dma_wait3A_81 = tpu.memref_slice %arg10[%mul3A_48] : memref<10240xf32, #tpu.memory_space<vmem_shared>> -> memref<640xf32, #tpu.memory_space<vmem_shared>>
        tpu.wait_dma2 semaphore(%run_scoped3A_79 : memref<!tpu.dma_semaphore, #tpu.memory_space<semaphore_mem>>) src(%dma_wait3A_81 : memref<640xf32, #tpu.memory_space<vmem_shared>>) dst(%dma_wait3A : memref<640xf32, #tpu.memory_space<hbm>>)
        tpu.yield
      }) : () -> ()
    } else {
    }
    %eq3A_74 = arith.constant 1 : i32
    %eq3A_75 = arith.cmpi eq, %arg0, %eq3A_74 : i32
    %convert_element_type3A_76 = arith.extui %eq3A_75 : i1 to i32
    %cond3A_77 = arith.constant 0 : i32
    %cond3A_78 = arith.cmpi ne, %convert_element_type3A_76, %cond3A_77 : i32
    scf.if %cond3A_78 {
      "tpu.region"() ({
        %run_scoped3A_79 = tpu.sem_alloc : memref<!tpu.dma_semaphore, #tpu.memory_space<semaphore_mem>>
        %dma_start3A = tpu.memref_slice %arg5[%mul3A_48] : memref<10240xf32, #tpu.memory_space<hbm>> -> memref<640xf32, #tpu.memory_space<hbm>>
        %dma_start3A_80 = tpu.memref_slice %arg10[%mul3A_48] : memref<10240xf32, #tpu.memory_space<vmem_shared>> -> memref<640xf32, #tpu.memory_space<vmem_shared>>
        tpu.enqueue_dma source(%dma_start3A_80 : memref<640xf32, #tpu.memory_space<vmem_shared>>) target(%dma_start3A : memref<640xf32, #tpu.memory_space<hbm>>) target_semaphore(%run_scoped3A_79 : memref<!tpu.dma_semaphore, #tpu.memory_space<semaphore_mem>>)
        %dma_wait3A = tpu.memref_slice %arg5[%mul3A_48] : memref<10240xf32, #tpu.memory_space<hbm>> -> memref<640xf32, #tpu.memory_space<hbm>>
        %dma_wait3A_81 = tpu.memref_slice %arg10[%mul3A_48] : memref<10240xf32, #tpu.memory_space<vmem_shared>> -> memref<640xf32, #tpu.memory_space<vmem_shared>>
        tpu.wait_dma2 semaphore(%run_scoped3A_79 : memref<!tpu.dma_semaphore, #tpu.memory_space<semaphore_mem>>) src(%dma_wait3A_81 : memref<640xf32, #tpu.memory_space<vmem_shared>>) dst(%dma_wait3A : memref<640xf32, #tpu.memory_space<hbm>>)
        tpu.yield
      }) : () -> ()
    } else {
    }
    return
  }
}

#map = affine_map<(d0, d1) -> (0, 0)>
#map1 = affine_map<(d0, d1) -> (0, 0, 0)>
module attributes {stable_mosaic.version = 14 : i64} {
  func.func @_prop16(%arg0: i32, %arg1: i32, %arg2: memref<10240x16xf32, #tpu.memory_space<hbm>>, %arg3: memref<2x2500x128xi32, #tpu.memory_space<hbm>>, %arg4: memref<10240x16xf32, #tpu.memory_space<hbm>>, %arg5: memref<10240x16xf32, #tpu.memory_space<hbm>>, %arg6: memref<10240x16xf32, #tpu.memory_space<hbm>>, %arg7: memref<78x128xi32, #tpu.memory_space<vmem>>, %arg8: memref<78x128xi32, #tpu.memory_space<vmem>>, %arg9: memref<128xi32, #tpu.memory_space<vmem>>, %arg10: memref<128xi32, #tpu.memory_space<vmem>>, %arg11: memref<128x16xf32, #tpu.memory_space<vmem>>, %arg12: memref<128x16xf32, #tpu.memory_space<vmem>>, %arg13: memref<!tpu.dma_semaphore, #tpu.memory_space<semaphore_mem>>, %arg14: memref<!tpu.dma_semaphore, #tpu.memory_space<semaphore_mem>>, %arg15: memref<10240x16xf32, #tpu.memory_space<vmem_shared>>) attributes {dimension_semantics = [#tpu.dimension_semantics<core_parallel>, #tpu.dimension_semantics<subcore_parallel>], iteration_bounds = array<i64: 2, 16>, scalar_prefetch = 0 : i64, scratch_operands = 9 : i64, tpu.core_type = #tpu.core_type<sc_vector_subcore>, window_params = [{transform_indices = #map}, {transform_indices = #map1}, {transform_indices = #map}, {transform_indices = #map}, {transform_indices = #map}]} {
    %mul3A = arith.constant 2 : i32
    %mul3A_0 = arith.muli %arg1, %mul3A : i32
    %add3A = arith.addi %mul3A_0, %arg0 : i32
    %mul3A_1 = arith.constant 640 : i32
    %mul3A_2 = arith.muli %arg1, %mul3A_1 : i32
    %eq3A = arith.constant 0 : i32
    %eq3A_3 = arith.cmpi eq, %arg0, %eq3A : i32
    %convert_element_type3A = arith.extui %eq3A_3 : i1 to i32
    %cond3A = arith.constant 0 : i32
    %cond3A_4 = arith.cmpi ne, %convert_element_type3A, %cond3A : i32
    scf.if %cond3A_4 {
      "tpu.region"() ({
        %run_scoped3A_42 = tpu.sem_alloc : memref<!tpu.dma_semaphore, #tpu.memory_space<semaphore_mem>>
        %dma_start3A_43 = arith.constant 0 : i32
        %dma_start3A_44 = tpu.memref_slice %arg15[%mul3A_2, %dma_start3A_43] : memref<10240x16xf32, #tpu.memory_space<vmem_shared>> -> memref<640x16xf32, #tpu.memory_space<vmem_shared>>
        %dma_start3A_45 = arith.constant 0 : i32
        %dma_start3A_46 = tpu.memref_slice %arg2[%mul3A_2, %dma_start3A_45] : memref<10240x16xf32, #tpu.memory_space<hbm>> -> memref<640x16xf32, #tpu.memory_space<hbm>>
        tpu.enqueue_dma source(%dma_start3A_46 : memref<640x16xf32, #tpu.memory_space<hbm>>) target(%dma_start3A_44 : memref<640x16xf32, #tpu.memory_space<vmem_shared>>) target_semaphore(%run_scoped3A_42 : memref<!tpu.dma_semaphore, #tpu.memory_space<semaphore_mem>>)
        %dma_wait3A = arith.constant 0 : i32
        %dma_wait3A_47 = tpu.memref_slice %arg15[%mul3A_2, %dma_wait3A] : memref<10240x16xf32, #tpu.memory_space<vmem_shared>> -> memref<640x16xf32, #tpu.memory_space<vmem_shared>>
        %dma_wait3A_48 = arith.constant 0 : i32
        %dma_wait3A_49 = tpu.memref_slice %arg2[%mul3A_2, %dma_wait3A_48] : memref<10240x16xf32, #tpu.memory_space<hbm>> -> memref<640x16xf32, #tpu.memory_space<hbm>>
        tpu.wait_dma2 semaphore(%run_scoped3A_42 : memref<!tpu.dma_semaphore, #tpu.memory_space<semaphore_mem>>) src(%dma_wait3A_49 : memref<640x16xf32, #tpu.memory_space<hbm>>) dst(%dma_wait3A_47 : memref<640x16xf32, #tpu.memory_space<vmem_shared>>)
        tpu.yield
      }) : () -> ()
    } else {
    }
    %eq3A_5 = arith.constant 1 : i32
    %eq3A_6 = arith.cmpi eq, %arg0, %eq3A_5 : i32
    %convert_element_type3A_7 = arith.extui %eq3A_6 : i1 to i32
    %cond3A_8 = arith.constant 0 : i32
    %cond3A_9 = arith.cmpi ne, %convert_element_type3A_7, %cond3A_8 : i32
    scf.if %cond3A_9 {
      "tpu.region"() ({
        %run_scoped3A_42 = tpu.sem_alloc : memref<!tpu.dma_semaphore, #tpu.memory_space<semaphore_mem>>
        %dma_start3A_43 = arith.constant 0 : i32
        %dma_start3A_44 = tpu.memref_slice %arg15[%mul3A_2, %dma_start3A_43] : memref<10240x16xf32, #tpu.memory_space<vmem_shared>> -> memref<640x16xf32, #tpu.memory_space<vmem_shared>>
        %dma_start3A_45 = arith.constant 0 : i32
        %dma_start3A_46 = tpu.memref_slice %arg4[%mul3A_2, %dma_start3A_45] : memref<10240x16xf32, #tpu.memory_space<hbm>> -> memref<640x16xf32, #tpu.memory_space<hbm>>
        tpu.enqueue_dma source(%dma_start3A_46 : memref<640x16xf32, #tpu.memory_space<hbm>>) target(%dma_start3A_44 : memref<640x16xf32, #tpu.memory_space<vmem_shared>>) target_semaphore(%run_scoped3A_42 : memref<!tpu.dma_semaphore, #tpu.memory_space<semaphore_mem>>)
        %dma_wait3A = arith.constant 0 : i32
        %dma_wait3A_47 = tpu.memref_slice %arg15[%mul3A_2, %dma_wait3A] : memref<10240x16xf32, #tpu.memory_space<vmem_shared>> -> memref<640x16xf32, #tpu.memory_space<vmem_shared>>
        %dma_wait3A_48 = arith.constant 0 : i32
        %dma_wait3A_49 = tpu.memref_slice %arg4[%mul3A_2, %dma_wait3A_48] : memref<10240x16xf32, #tpu.memory_space<hbm>> -> memref<640x16xf32, #tpu.memory_space<hbm>>
        tpu.wait_dma2 semaphore(%run_scoped3A_42 : memref<!tpu.dma_semaphore, #tpu.memory_space<semaphore_mem>>) src(%dma_wait3A_49 : memref<640x16xf32, #tpu.memory_space<hbm>>) dst(%dma_wait3A_47 : memref<640x16xf32, #tpu.memory_space<vmem_shared>>)
        tpu.yield
      }) : () -> ()
    } else {
    }
    %barrier3A = arith.constant 0 : index
    tpu.barrier barrier_id(%barrier3A)
    %mul3A_10 = arith.constant 78 : i32
    %mul3A_11 = arith.muli %add3A, %mul3A_10 : i32
    %min3A = arith.constant 4 : i32
    %min3A_12 = arith.minsi %add3A, %min3A : i32
    %add3A_13 = arith.addi %mul3A_11, %min3A_12 : i32
    %lt3A = arith.constant 4 : i32
    %lt3A_14 = arith.cmpi slt, %add3A, %lt3A : i32
    %add3A_15 = arith.constant 0 : i32
    %add3A_16 = arith.addi %add3A_13, %add3A_15 : i32
    %run_scoped3A = arith.constant 0 : i32
    "tpu.region"() ({
      %run_scoped3A_42 = tpu.sem_alloc : memref<!tpu.dma_semaphore, #tpu.memory_space<semaphore_mem>>
      %dma_start3A_43 = arith.constant 0 : i32
      %dma_start3A_44 = tpu.memref_slice %arg3[%run_scoped3A, %add3A_16, %dma_start3A_43] : memref<2x2500x128xi32, #tpu.memory_space<hbm>> -> memref<1x78x128xi32, #tpu.memory_space<hbm>>
      %dma_start3A_45 = tpu.memref_squeeze %dma_start3A_44 : memref<1x78x128xi32, #tpu.memory_space<hbm>> -> memref<78x128xi32, #tpu.memory_space<hbm>>
      %dma_start3A_46 = arith.constant 0 : i32
      %dma_start3A_47 = tpu.memref_slice %arg3[%run_scoped3A, %add3A_16, %dma_start3A_46] : memref<2x2500x128xi32, #tpu.memory_space<hbm>> -> memref<1x78x128xi32, #tpu.memory_space<hbm>>
      %dma_start3A_48 = tpu.memref_squeeze %dma_start3A_47 : memref<1x78x128xi32, #tpu.memory_space<hbm>> -> memref<78x128xi32, #tpu.memory_space<hbm>>
      tpu.enqueue_dma source(%dma_start3A_48 : memref<78x128xi32, #tpu.memory_space<hbm>>) target(%arg7 : memref<78x128xi32, #tpu.memory_space<vmem>>) target_semaphore(%run_scoped3A_42 : memref<!tpu.dma_semaphore, #tpu.memory_space<semaphore_mem>>)
      %dma_wait3A = arith.constant 0 : i32
      %dma_wait3A_49 = tpu.memref_slice %arg3[%run_scoped3A, %add3A_16, %dma_wait3A] : memref<2x2500x128xi32, #tpu.memory_space<hbm>> -> memref<1x78x128xi32, #tpu.memory_space<hbm>>
      %dma_wait3A_50 = tpu.memref_squeeze %dma_wait3A_49 : memref<1x78x128xi32, #tpu.memory_space<hbm>> -> memref<78x128xi32, #tpu.memory_space<hbm>>
      %dma_wait3A_51 = arith.constant 0 : i32
      %dma_wait3A_52 = tpu.memref_slice %arg3[%run_scoped3A, %add3A_16, %dma_wait3A_51] : memref<2x2500x128xi32, #tpu.memory_space<hbm>> -> memref<1x78x128xi32, #tpu.memory_space<hbm>>
      %dma_wait3A_53 = tpu.memref_squeeze %dma_wait3A_52 : memref<1x78x128xi32, #tpu.memory_space<hbm>> -> memref<78x128xi32, #tpu.memory_space<hbm>>
      tpu.wait_dma2 semaphore(%run_scoped3A_42 : memref<!tpu.dma_semaphore, #tpu.memory_space<semaphore_mem>>) src(%dma_wait3A_53 : memref<78x128xi32, #tpu.memory_space<hbm>>) dst(%arg7 : memref<78x128xi32, #tpu.memory_space<vmem>>)
      tpu.yield
    }) : () -> ()
    %run_scoped3A_17 = arith.constant 1 : i32
    "tpu.region"() ({
      %run_scoped3A_42 = tpu.sem_alloc : memref<!tpu.dma_semaphore, #tpu.memory_space<semaphore_mem>>
      %dma_start3A_43 = arith.constant 0 : i32
      %dma_start3A_44 = tpu.memref_slice %arg3[%run_scoped3A_17, %add3A_16, %dma_start3A_43] : memref<2x2500x128xi32, #tpu.memory_space<hbm>> -> memref<1x78x128xi32, #tpu.memory_space<hbm>>
      %dma_start3A_45 = tpu.memref_squeeze %dma_start3A_44 : memref<1x78x128xi32, #tpu.memory_space<hbm>> -> memref<78x128xi32, #tpu.memory_space<hbm>>
      %dma_start3A_46 = arith.constant 0 : i32
      %dma_start3A_47 = tpu.memref_slice %arg3[%run_scoped3A_17, %add3A_16, %dma_start3A_46] : memref<2x2500x128xi32, #tpu.memory_space<hbm>> -> memref<1x78x128xi32, #tpu.memory_space<hbm>>
      %dma_start3A_48 = tpu.memref_squeeze %dma_start3A_47 : memref<1x78x128xi32, #tpu.memory_space<hbm>> -> memref<78x128xi32, #tpu.memory_space<hbm>>
      tpu.enqueue_dma source(%dma_start3A_48 : memref<78x128xi32, #tpu.memory_space<hbm>>) target(%arg8 : memref<78x128xi32, #tpu.memory_space<vmem>>) target_semaphore(%run_scoped3A_42 : memref<!tpu.dma_semaphore, #tpu.memory_space<semaphore_mem>>)
      %dma_wait3A = arith.constant 0 : i32
      %dma_wait3A_49 = tpu.memref_slice %arg3[%run_scoped3A_17, %add3A_16, %dma_wait3A] : memref<2x2500x128xi32, #tpu.memory_space<hbm>> -> memref<1x78x128xi32, #tpu.memory_space<hbm>>
      %dma_wait3A_50 = tpu.memref_squeeze %dma_wait3A_49 : memref<1x78x128xi32, #tpu.memory_space<hbm>> -> memref<78x128xi32, #tpu.memory_space<hbm>>
      %dma_wait3A_51 = arith.constant 0 : i32
      %dma_wait3A_52 = tpu.memref_slice %arg3[%run_scoped3A_17, %add3A_16, %dma_wait3A_51] : memref<2x2500x128xi32, #tpu.memory_space<hbm>> -> memref<1x78x128xi32, #tpu.memory_space<hbm>>
      %dma_wait3A_53 = tpu.memref_squeeze %dma_wait3A_52 : memref<1x78x128xi32, #tpu.memory_space<hbm>> -> memref<78x128xi32, #tpu.memory_space<hbm>>
      tpu.wait_dma2 semaphore(%run_scoped3A_42 : memref<!tpu.dma_semaphore, #tpu.memory_space<semaphore_mem>>) src(%dma_wait3A_53 : memref<78x128xi32, #tpu.memory_space<hbm>>) dst(%arg8 : memref<78x128xi32, #tpu.memory_space<vmem>>)
      tpu.yield
    }) : () -> ()
    %dma_start3A = arith.constant 0 : i32
    %dma_start3A_18 = arith.constant 0 : i32
    %dma_start3A_19 = tpu.memref_slice %arg7[%dma_start3A, %dma_start3A_18] : memref<78x128xi32, #tpu.memory_space<vmem>> -> memref<1x128xi32, #tpu.memory_space<vmem>>
    %dma_start3A_20 = tpu.memref_squeeze %dma_start3A_19 : memref<1x128xi32, #tpu.memory_space<vmem>> -> memref<128xi32, #tpu.memory_space<vmem>>
    %dma_start3A_21 = arith.constant 0 : i32
    %dma_start3A_22 = arith.constant 0 : i32
    %dma_start3A_23 = tpu.memref_slice %arg2[%dma_start3A_21, %dma_start3A_22] : memref<10240x16xf32, #tpu.memory_space<hbm>> -> memref<10240x16xf32, #tpu.memory_space<hbm>>
    tpu.enqueue_indirect_dma source(%dma_start3A_23 : memref<10240x16xf32, #tpu.memory_space<hbm>>) target(%arg11 : memref<128x16xf32, #tpu.memory_space<vmem>>) offsets(%dma_start3A_20 : memref<128xi32, #tpu.memory_space<vmem>>) semaphore(%arg13 : memref<!tpu.dma_semaphore, #tpu.memory_space<semaphore_mem>>)
    %scan3A = arith.constant 0 : i32
    %scan3A_24 = arith.constant 39 : i32
    %scan3A_25 = arith.addi %scan3A, %scan3A_24 : i32
    %scan3A_26 = arith.constant 1 : i32
    scf.for %scan3A_42 = %scan3A to %scan3A_25 step %scan3A_26  : i32 {
      %mul3A_43 = arith.constant 2 : i32
      %mul3A_44 = arith.muli %mul3A_43, %scan3A_42 : i32
      %add3A_45 = arith.constant 1 : i32
      %add3A_46 = arith.addi %mul3A_44, %add3A_45 : i32
      %dma_start3A_47 = arith.constant 0 : i32
      %dma_start3A_48 = tpu.memref_slice %arg7[%add3A_46, %dma_start3A_47] : memref<78x128xi32, #tpu.memory_space<vmem>> -> memref<1x128xi32, #tpu.memory_space<vmem>>
      %dma_start3A_49 = tpu.memref_squeeze %dma_start3A_48 : memref<1x128xi32, #tpu.memory_space<vmem>> -> memref<128xi32, #tpu.memory_space<vmem>>
      %dma_start3A_50 = arith.constant 0 : i32
      %dma_start3A_51 = arith.constant 0 : i32
      %dma_start3A_52 = tpu.memref_slice %arg2[%dma_start3A_50, %dma_start3A_51] : memref<10240x16xf32, #tpu.memory_space<hbm>> -> memref<10240x16xf32, #tpu.memory_space<hbm>>
      tpu.enqueue_indirect_dma source(%dma_start3A_52 : memref<10240x16xf32, #tpu.memory_space<hbm>>) target(%arg12 : memref<128x16xf32, #tpu.memory_space<vmem>>) offsets(%dma_start3A_49 : memref<128xi32, #tpu.memory_space<vmem>>) semaphore(%arg14 : memref<!tpu.dma_semaphore, #tpu.memory_space<semaphore_mem>>)
      %dma_wait3A = arith.constant 0 : i32
      %dma_wait3A_53 = tpu.memref_slice %arg7[%mul3A_44, %dma_wait3A] : memref<78x128xi32, #tpu.memory_space<vmem>> -> memref<1x128xi32, #tpu.memory_space<vmem>>
      %dma_wait3A_54 = tpu.memref_squeeze %dma_wait3A_53 : memref<1x128xi32, #tpu.memory_space<vmem>> -> memref<128xi32, #tpu.memory_space<vmem>>
      %dma_wait3A_55 = arith.constant 0 : i32
      %dma_wait3A_56 = arith.constant 0 : i32
      %dma_wait3A_57 = tpu.memref_slice %arg2[%dma_wait3A_55, %dma_wait3A_56] : memref<10240x16xf32, #tpu.memory_space<hbm>> -> memref<10240x16xf32, #tpu.memory_space<hbm>>
      tpu.wait_indirect_dma semaphore(%arg13 : memref<!tpu.dma_semaphore, #tpu.memory_space<semaphore_mem>>) src(%dma_wait3A_57 : memref<10240x16xf32, #tpu.memory_space<hbm>>) dst(%arg11 : memref<128x16xf32, #tpu.memory_space<vmem>>)
      "tpu.region"() ({
        %run_scoped3A_69 = tpu.sem_alloc : memref<!tpu.dma_semaphore, #tpu.memory_space<semaphore_mem>>
        %dma_start3A_70 = arith.constant 0 : i32
        %dma_start3A_71 = tpu.memref_slice %arg8[%mul3A_44, %dma_start3A_70] : memref<78x128xi32, #tpu.memory_space<vmem>> -> memref<1x128xi32, #tpu.memory_space<vmem>>
        %dma_start3A_72 = tpu.memref_squeeze %dma_start3A_71 : memref<1x128xi32, #tpu.memory_space<vmem>> -> memref<128xi32, #tpu.memory_space<vmem>>
        %dma_start3A_73 = arith.constant 0 : i32
        %dma_start3A_74 = arith.constant 0 : i32
        %dma_start3A_75 = tpu.memref_slice %arg15[%dma_start3A_73, %dma_start3A_74] : memref<10240x16xf32, #tpu.memory_space<vmem_shared>> -> memref<10240x16xf32, #tpu.memory_space<vmem_shared>>
        tpu.enqueue_indirect_dma source(%arg11 : memref<128x16xf32, #tpu.memory_space<vmem>>) target(%dma_start3A_75 : memref<10240x16xf32, #tpu.memory_space<vmem_shared>>) offsets(%dma_start3A_72 : memref<128xi32, #tpu.memory_space<vmem>>) semaphore(%run_scoped3A_69 : memref<!tpu.dma_semaphore, #tpu.memory_space<semaphore_mem>>) {add = true}
        %dma_wait3A_76 = arith.constant 0 : i32
        %dma_wait3A_77 = tpu.memref_slice %arg8[%mul3A_44, %dma_wait3A_76] : memref<78x128xi32, #tpu.memory_space<vmem>> -> memref<1x128xi32, #tpu.memory_space<vmem>>
        %dma_wait3A_78 = tpu.memref_squeeze %dma_wait3A_77 : memref<1x128xi32, #tpu.memory_space<vmem>> -> memref<128xi32, #tpu.memory_space<vmem>>
        %dma_wait3A_79 = arith.constant 0 : i32
        %dma_wait3A_80 = arith.constant 0 : i32
        %dma_wait3A_81 = tpu.memref_slice %arg15[%dma_wait3A_79, %dma_wait3A_80] : memref<10240x16xf32, #tpu.memory_space<vmem_shared>> -> memref<10240x16xf32, #tpu.memory_space<vmem_shared>>
        tpu.wait_indirect_dma semaphore(%run_scoped3A_69 : memref<!tpu.dma_semaphore, #tpu.memory_space<semaphore_mem>>) src(%arg11 : memref<128x16xf32, #tpu.memory_space<vmem>>) dst(%dma_wait3A_81 : memref<10240x16xf32, #tpu.memory_space<vmem_shared>>)
        tpu.yield
      }) : () -> ()
      %lt3A_58 = arith.constant 38 : i32
      %lt3A_59 = arith.cmpi slt, %scan3A_42, %lt3A_58 : i32
      %convert_element_type3A_60 = arith.extui %lt3A_59 : i1 to i32
      %cond3A_61 = arith.constant 0 : i32
      %cond3A_62 = arith.cmpi ne, %convert_element_type3A_60, %cond3A_61 : i32
      scf.if %cond3A_62 {
        %add3A_69 = arith.constant 2 : i32
        %add3A_70 = arith.addi %mul3A_44, %add3A_69 : i32
        %dma_start3A_71 = arith.constant 0 : i32
        %dma_start3A_72 = tpu.memref_slice %arg7[%add3A_70, %dma_start3A_71] : memref<78x128xi32, #tpu.memory_space<vmem>> -> memref<1x128xi32, #tpu.memory_space<vmem>>
        %dma_start3A_73 = tpu.memref_squeeze %dma_start3A_72 : memref<1x128xi32, #tpu.memory_space<vmem>> -> memref<128xi32, #tpu.memory_space<vmem>>
        %dma_start3A_74 = arith.constant 0 : i32
        %dma_start3A_75 = arith.constant 0 : i32
        %dma_start3A_76 = tpu.memref_slice %arg2[%dma_start3A_74, %dma_start3A_75] : memref<10240x16xf32, #tpu.memory_space<hbm>> -> memref<10240x16xf32, #tpu.memory_space<hbm>>
        tpu.enqueue_indirect_dma source(%dma_start3A_76 : memref<10240x16xf32, #tpu.memory_space<hbm>>) target(%arg11 : memref<128x16xf32, #tpu.memory_space<vmem>>) offsets(%dma_start3A_73 : memref<128xi32, #tpu.memory_space<vmem>>) semaphore(%arg13 : memref<!tpu.dma_semaphore, #tpu.memory_space<semaphore_mem>>)
      } else {
      }
      %dma_wait3A_63 = arith.constant 0 : i32
      %dma_wait3A_64 = tpu.memref_slice %arg7[%add3A_46, %dma_wait3A_63] : memref<78x128xi32, #tpu.memory_space<vmem>> -> memref<1x128xi32, #tpu.memory_space<vmem>>
      %dma_wait3A_65 = tpu.memref_squeeze %dma_wait3A_64 : memref<1x128xi32, #tpu.memory_space<vmem>> -> memref<128xi32, #tpu.memory_space<vmem>>
      %dma_wait3A_66 = arith.constant 0 : i32
      %dma_wait3A_67 = arith.constant 0 : i32
      %dma_wait3A_68 = tpu.memref_slice %arg2[%dma_wait3A_66, %dma_wait3A_67] : memref<10240x16xf32, #tpu.memory_space<hbm>> -> memref<10240x16xf32, #tpu.memory_space<hbm>>
      tpu.wait_indirect_dma semaphore(%arg14 : memref<!tpu.dma_semaphore, #tpu.memory_space<semaphore_mem>>) src(%dma_wait3A_68 : memref<10240x16xf32, #tpu.memory_space<hbm>>) dst(%arg12 : memref<128x16xf32, #tpu.memory_space<vmem>>)
      "tpu.region"() ({
        %run_scoped3A_69 = tpu.sem_alloc : memref<!tpu.dma_semaphore, #tpu.memory_space<semaphore_mem>>
        %dma_start3A_70 = arith.constant 0 : i32
        %dma_start3A_71 = tpu.memref_slice %arg8[%add3A_46, %dma_start3A_70] : memref<78x128xi32, #tpu.memory_space<vmem>> -> memref<1x128xi32, #tpu.memory_space<vmem>>
        %dma_start3A_72 = tpu.memref_squeeze %dma_start3A_71 : memref<1x128xi32, #tpu.memory_space<vmem>> -> memref<128xi32, #tpu.memory_space<vmem>>
        %dma_start3A_73 = arith.constant 0 : i32
        %dma_start3A_74 = arith.constant 0 : i32
        %dma_start3A_75 = tpu.memref_slice %arg15[%dma_start3A_73, %dma_start3A_74] : memref<10240x16xf32, #tpu.memory_space<vmem_shared>> -> memref<10240x16xf32, #tpu.memory_space<vmem_shared>>
        tpu.enqueue_indirect_dma source(%arg12 : memref<128x16xf32, #tpu.memory_space<vmem>>) target(%dma_start3A_75 : memref<10240x16xf32, #tpu.memory_space<vmem_shared>>) offsets(%dma_start3A_72 : memref<128xi32, #tpu.memory_space<vmem>>) semaphore(%run_scoped3A_69 : memref<!tpu.dma_semaphore, #tpu.memory_space<semaphore_mem>>) {add = true}
        %dma_wait3A_76 = arith.constant 0 : i32
        %dma_wait3A_77 = tpu.memref_slice %arg8[%add3A_46, %dma_wait3A_76] : memref<78x128xi32, #tpu.memory_space<vmem>> -> memref<1x128xi32, #tpu.memory_space<vmem>>
        %dma_wait3A_78 = tpu.memref_squeeze %dma_wait3A_77 : memref<1x128xi32, #tpu.memory_space<vmem>> -> memref<128xi32, #tpu.memory_space<vmem>>
        %dma_wait3A_79 = arith.constant 0 : i32
        %dma_wait3A_80 = arith.constant 0 : i32
        %dma_wait3A_81 = tpu.memref_slice %arg15[%dma_wait3A_79, %dma_wait3A_80] : memref<10240x16xf32, #tpu.memory_space<vmem_shared>> -> memref<10240x16xf32, #tpu.memory_space<vmem_shared>>
        tpu.wait_indirect_dma semaphore(%run_scoped3A_69 : memref<!tpu.dma_semaphore, #tpu.memory_space<semaphore_mem>>) src(%arg12 : memref<128x16xf32, #tpu.memory_space<vmem>>) dst(%dma_wait3A_81 : memref<10240x16xf32, #tpu.memory_space<vmem_shared>>)
        tpu.yield
      }) : () -> ()
    }
    %scan3A_27 = arith.constant 39 : i32
    %convert_element_type3A_28 = arith.extui %lt3A_14 : i1 to i32
    %cond3A_29 = arith.constant 0 : i32
    %cond3A_30 = arith.cmpi ne, %convert_element_type3A_28, %cond3A_29 : i32
    scf.if %cond3A_30 {
      %add3A_42 = arith.constant 78 : i32
      %add3A_43 = arith.addi %add3A_13, %add3A_42 : i32
      %run_scoped3A_44 = arith.constant 0 : i32
      "tpu.region"() ({
        %run_scoped3A_53 = tpu.sem_alloc : memref<!tpu.dma_semaphore, #tpu.memory_space<semaphore_mem>>
        %dma_start3A_54 = arith.constant 0 : i32
        %dma_start3A_55 = tpu.memref_slice %arg3[%run_scoped3A_44, %add3A_43, %dma_start3A_54] : memref<2x2500x128xi32, #tpu.memory_space<hbm>> -> memref<1x1x128xi32, #tpu.memory_space<hbm>>
        %dma_start3A_56 = tpu.memref_squeeze %dma_start3A_55 : memref<1x1x128xi32, #tpu.memory_space<hbm>> -> memref<128xi32, #tpu.memory_space<hbm>>
        %dma_start3A_57 = arith.constant 0 : i32
        %dma_start3A_58 = tpu.memref_slice %arg3[%run_scoped3A_44, %add3A_43, %dma_start3A_57] : memref<2x2500x128xi32, #tpu.memory_space<hbm>> -> memref<1x1x128xi32, #tpu.memory_space<hbm>>
        %dma_start3A_59 = tpu.memref_squeeze %dma_start3A_58 : memref<1x1x128xi32, #tpu.memory_space<hbm>> -> memref<128xi32, #tpu.memory_space<hbm>>
        tpu.enqueue_dma source(%dma_start3A_59 : memref<128xi32, #tpu.memory_space<hbm>>) target(%arg9 : memref<128xi32, #tpu.memory_space<vmem>>) target_semaphore(%run_scoped3A_53 : memref<!tpu.dma_semaphore, #tpu.memory_space<semaphore_mem>>)
        %dma_wait3A_60 = arith.constant 0 : i32
        %dma_wait3A_61 = tpu.memref_slice %arg3[%run_scoped3A_44, %add3A_43, %dma_wait3A_60] : memref<2x2500x128xi32, #tpu.memory_space<hbm>> -> memref<1x1x128xi32, #tpu.memory_space<hbm>>
        %dma_wait3A_62 = tpu.memref_squeeze %dma_wait3A_61 : memref<1x1x128xi32, #tpu.memory_space<hbm>> -> memref<128xi32, #tpu.memory_space<hbm>>
        %dma_wait3A_63 = arith.constant 0 : i32
        %dma_wait3A_64 = tpu.memref_slice %arg3[%run_scoped3A_44, %add3A_43, %dma_wait3A_63] : memref<2x2500x128xi32, #tpu.memory_space<hbm>> -> memref<1x1x128xi32, #tpu.memory_space<hbm>>
        %dma_wait3A_65 = tpu.memref_squeeze %dma_wait3A_64 : memref<1x1x128xi32, #tpu.memory_space<hbm>> -> memref<128xi32, #tpu.memory_space<hbm>>
        tpu.wait_dma2 semaphore(%run_scoped3A_53 : memref<!tpu.dma_semaphore, #tpu.memory_space<semaphore_mem>>) src(%dma_wait3A_65 : memref<128xi32, #tpu.memory_space<hbm>>) dst(%arg9 : memref<128xi32, #tpu.memory_space<vmem>>)
        tpu.yield
      }) : () -> ()
      %add3A_45 = arith.constant 78 : i32
      %add3A_46 = arith.addi %add3A_13, %add3A_45 : i32
      %run_scoped3A_47 = arith.constant 1 : i32
      "tpu.region"() ({
        %run_scoped3A_53 = tpu.sem_alloc : memref<!tpu.dma_semaphore, #tpu.memory_space<semaphore_mem>>
        %dma_start3A_54 = arith.constant 0 : i32
        %dma_start3A_55 = tpu.memref_slice %arg3[%run_scoped3A_47, %add3A_46, %dma_start3A_54] : memref<2x2500x128xi32, #tpu.memory_space<hbm>> -> memref<1x1x128xi32, #tpu.memory_space<hbm>>
        %dma_start3A_56 = tpu.memref_squeeze %dma_start3A_55 : memref<1x1x128xi32, #tpu.memory_space<hbm>> -> memref<128xi32, #tpu.memory_space<hbm>>
        %dma_start3A_57 = arith.constant 0 : i32
        %dma_start3A_58 = tpu.memref_slice %arg3[%run_scoped3A_47, %add3A_46, %dma_start3A_57] : memref<2x2500x128xi32, #tpu.memory_space<hbm>> -> memref<1x1x128xi32, #tpu.memory_space<hbm>>
        %dma_start3A_59 = tpu.memref_squeeze %dma_start3A_58 : memref<1x1x128xi32, #tpu.memory_space<hbm>> -> memref<128xi32, #tpu.memory_space<hbm>>
        tpu.enqueue_dma source(%dma_start3A_59 : memref<128xi32, #tpu.memory_space<hbm>>) target(%arg10 : memref<128xi32, #tpu.memory_space<vmem>>) target_semaphore(%run_scoped3A_53 : memref<!tpu.dma_semaphore, #tpu.memory_space<semaphore_mem>>)
        %dma_wait3A_60 = arith.constant 0 : i32
        %dma_wait3A_61 = tpu.memref_slice %arg3[%run_scoped3A_47, %add3A_46, %dma_wait3A_60] : memref<2x2500x128xi32, #tpu.memory_space<hbm>> -> memref<1x1x128xi32, #tpu.memory_space<hbm>>
        %dma_wait3A_62 = tpu.memref_squeeze %dma_wait3A_61 : memref<1x1x128xi32, #tpu.memory_space<hbm>> -> memref<128xi32, #tpu.memory_space<hbm>>
        %dma_wait3A_63 = arith.constant 0 : i32
        %dma_wait3A_64 = tpu.memref_slice %arg3[%run_scoped3A_47, %add3A_46, %dma_wait3A_63] : memref<2x2500x128xi32, #tpu.memory_space<hbm>> -> memref<1x1x128xi32, #tpu.memory_space<hbm>>
        %dma_wait3A_65 = tpu.memref_squeeze %dma_wait3A_64 : memref<1x1x128xi32, #tpu.memory_space<hbm>> -> memref<128xi32, #tpu.memory_space<hbm>>
        tpu.wait_dma2 semaphore(%run_scoped3A_53 : memref<!tpu.dma_semaphore, #tpu.memory_space<semaphore_mem>>) src(%dma_wait3A_65 : memref<128xi32, #tpu.memory_space<hbm>>) dst(%arg10 : memref<128xi32, #tpu.memory_space<vmem>>)
        tpu.yield
      }) : () -> ()
      %dma_start3A_48 = arith.constant 0 : i32
      %dma_start3A_49 = arith.constant 0 : i32
      %dma_start3A_50 = tpu.memref_slice %arg2[%dma_start3A_48, %dma_start3A_49] : memref<10240x16xf32, #tpu.memory_space<hbm>> -> memref<10240x16xf32, #tpu.memory_space<hbm>>
      tpu.enqueue_indirect_dma source(%dma_start3A_50 : memref<10240x16xf32, #tpu.memory_space<hbm>>) target(%arg11 : memref<128x16xf32, #tpu.memory_space<vmem>>) offsets(%arg9 : memref<128xi32, #tpu.memory_space<vmem>>) semaphore(%arg13 : memref<!tpu.dma_semaphore, #tpu.memory_space<semaphore_mem>>)
      %dma_wait3A = arith.constant 0 : i32
      %dma_wait3A_51 = arith.constant 0 : i32
      %dma_wait3A_52 = tpu.memref_slice %arg2[%dma_wait3A, %dma_wait3A_51] : memref<10240x16xf32, #tpu.memory_space<hbm>> -> memref<10240x16xf32, #tpu.memory_space<hbm>>
      tpu.wait_indirect_dma semaphore(%arg13 : memref<!tpu.dma_semaphore, #tpu.memory_space<semaphore_mem>>) src(%dma_wait3A_52 : memref<10240x16xf32, #tpu.memory_space<hbm>>) dst(%arg11 : memref<128x16xf32, #tpu.memory_space<vmem>>)
      "tpu.region"() ({
        %run_scoped3A_53 = tpu.sem_alloc : memref<!tpu.dma_semaphore, #tpu.memory_space<semaphore_mem>>
        %dma_start3A_54 = arith.constant 0 : i32
        %dma_start3A_55 = arith.constant 0 : i32
        %dma_start3A_56 = tpu.memref_slice %arg15[%dma_start3A_54, %dma_start3A_55] : memref<10240x16xf32, #tpu.memory_space<vmem_shared>> -> memref<10240x16xf32, #tpu.memory_space<vmem_shared>>
        tpu.enqueue_indirect_dma source(%arg11 : memref<128x16xf32, #tpu.memory_space<vmem>>) target(%dma_start3A_56 : memref<10240x16xf32, #tpu.memory_space<vmem_shared>>) offsets(%arg10 : memref<128xi32, #tpu.memory_space<vmem>>) semaphore(%run_scoped3A_53 : memref<!tpu.dma_semaphore, #tpu.memory_space<semaphore_mem>>) {add = true}
        %dma_wait3A_57 = arith.constant 0 : i32
        %dma_wait3A_58 = arith.constant 0 : i32
        %dma_wait3A_59 = tpu.memref_slice %arg15[%dma_wait3A_57, %dma_wait3A_58] : memref<10240x16xf32, #tpu.memory_space<vmem_shared>> -> memref<10240x16xf32, #tpu.memory_space<vmem_shared>>
        tpu.wait_indirect_dma semaphore(%run_scoped3A_53 : memref<!tpu.dma_semaphore, #tpu.memory_space<semaphore_mem>>) src(%arg11 : memref<128x16xf32, #tpu.memory_space<vmem>>) dst(%dma_wait3A_59 : memref<10240x16xf32, #tpu.memory_space<vmem_shared>>)
        tpu.yield
      }) : () -> ()
    } else {
    }
    %barrier3A_31 = arith.constant 0 : index
    tpu.barrier barrier_id(%barrier3A_31)
    %eq3A_32 = arith.constant 0 : i32
    %eq3A_33 = arith.cmpi eq, %arg0, %eq3A_32 : i32
    %convert_element_type3A_34 = arith.extui %eq3A_33 : i1 to i32
    %cond3A_35 = arith.constant 0 : i32
    %cond3A_36 = arith.cmpi ne, %convert_element_type3A_34, %cond3A_35 : i32
    scf.if %cond3A_36 {
      "tpu.region"() ({
        %run_scoped3A_42 = tpu.sem_alloc : memref<!tpu.dma_semaphore, #tpu.memory_space<semaphore_mem>>
        %dma_start3A_43 = arith.constant 0 : i32
        %dma_start3A_44 = tpu.memref_slice %arg5[%mul3A_2, %dma_start3A_43] : memref<10240x16xf32, #tpu.memory_space<hbm>> -> memref<640x16xf32, #tpu.memory_space<hbm>>
        %dma_start3A_45 = arith.constant 0 : i32
        %dma_start3A_46 = tpu.memref_slice %arg15[%mul3A_2, %dma_start3A_45] : memref<10240x16xf32, #tpu.memory_space<vmem_shared>> -> memref<640x16xf32, #tpu.memory_space<vmem_shared>>
        tpu.enqueue_dma source(%dma_start3A_46 : memref<640x16xf32, #tpu.memory_space<vmem_shared>>) target(%dma_start3A_44 : memref<640x16xf32, #tpu.memory_space<hbm>>) target_semaphore(%run_scoped3A_42 : memref<!tpu.dma_semaphore, #tpu.memory_space<semaphore_mem>>)
        %dma_wait3A = arith.constant 0 : i32
        %dma_wait3A_47 = tpu.memref_slice %arg5[%mul3A_2, %dma_wait3A] : memref<10240x16xf32, #tpu.memory_space<hbm>> -> memref<640x16xf32, #tpu.memory_space<hbm>>
        %dma_wait3A_48 = arith.constant 0 : i32
        %dma_wait3A_49 = tpu.memref_slice %arg15[%mul3A_2, %dma_wait3A_48] : memref<10240x16xf32, #tpu.memory_space<vmem_shared>> -> memref<640x16xf32, #tpu.memory_space<vmem_shared>>
        tpu.wait_dma2 semaphore(%run_scoped3A_42 : memref<!tpu.dma_semaphore, #tpu.memory_space<semaphore_mem>>) src(%dma_wait3A_49 : memref<640x16xf32, #tpu.memory_space<vmem_shared>>) dst(%dma_wait3A_47 : memref<640x16xf32, #tpu.memory_space<hbm>>)
        tpu.yield
      }) : () -> ()
    } else {
    }
    %eq3A_37 = arith.constant 1 : i32
    %eq3A_38 = arith.cmpi eq, %arg0, %eq3A_37 : i32
    %convert_element_type3A_39 = arith.extui %eq3A_38 : i1 to i32
    %cond3A_40 = arith.constant 0 : i32
    %cond3A_41 = arith.cmpi ne, %convert_element_type3A_39, %cond3A_40 : i32
    scf.if %cond3A_41 {
      "tpu.region"() ({
        %run_scoped3A_42 = tpu.sem_alloc : memref<!tpu.dma_semaphore, #tpu.memory_space<semaphore_mem>>
        %dma_start3A_43 = arith.constant 0 : i32
        %dma_start3A_44 = tpu.memref_slice %arg6[%mul3A_2, %dma_start3A_43] : memref<10240x16xf32, #tpu.memory_space<hbm>> -> memref<640x16xf32, #tpu.memory_space<hbm>>
        %dma_start3A_45 = arith.constant 0 : i32
        %dma_start3A_46 = tpu.memref_slice %arg15[%mul3A_2, %dma_start3A_45] : memref<10240x16xf32, #tpu.memory_space<vmem_shared>> -> memref<640x16xf32, #tpu.memory_space<vmem_shared>>
        tpu.enqueue_dma source(%dma_start3A_46 : memref<640x16xf32, #tpu.memory_space<vmem_shared>>) target(%dma_start3A_44 : memref<640x16xf32, #tpu.memory_space<hbm>>) target_semaphore(%run_scoped3A_42 : memref<!tpu.dma_semaphore, #tpu.memory_space<semaphore_mem>>)
        %dma_wait3A = arith.constant 0 : i32
        %dma_wait3A_47 = tpu.memref_slice %arg6[%mul3A_2, %dma_wait3A] : memref<10240x16xf32, #tpu.memory_space<hbm>> -> memref<640x16xf32, #tpu.memory_space<hbm>>
        %dma_wait3A_48 = arith.constant 0 : i32
        %dma_wait3A_49 = tpu.memref_slice %arg15[%mul3A_2, %dma_wait3A_48] : memref<10240x16xf32, #tpu.memory_space<vmem_shared>> -> memref<640x16xf32, #tpu.memory_space<vmem_shared>>
        tpu.wait_dma2 semaphore(%run_scoped3A_42 : memref<!tpu.dma_semaphore, #tpu.memory_space<semaphore_mem>>) src(%dma_wait3A_49 : memref<640x16xf32, #tpu.memory_space<vmem_shared>>) dst(%dma_wait3A_47 : memref<640x16xf32, #tpu.memory_space<hbm>>)
        tpu.yield
      }) : () -> ()
    } else {
    }
    return
  }
}

#map = affine_map<(d0, d1) -> (0, 0)>
#map1 = affine_map<(d0, d1) -> (0, 0, 0)>
module attributes {stable_mosaic.version = 14 : i64} {
  func.func @_prop128(%arg0: i32, %arg1: i32, %arg2: memref<10240x64xf32, #tpu.memory_space<hbm>>, %arg3: memref<10240x64xf32, #tpu.memory_space<hbm>>, %arg4: memref<2x2500x128xi32, #tpu.memory_space<hbm>>, %arg5: memref<10240x64xf32, #tpu.memory_space<hbm>>, %arg6: memref<10240x64xf32, #tpu.memory_space<hbm>>, %arg7: memref<78x128xi32, #tpu.memory_space<vmem>>, %arg8: memref<78x128xi32, #tpu.memory_space<vmem>>, %arg9: memref<128xi32, #tpu.memory_space<vmem>>, %arg10: memref<128xi32, #tpu.memory_space<vmem>>, %arg11: memref<128x64xf32, #tpu.memory_space<vmem>>, %arg12: memref<128x64xf32, #tpu.memory_space<vmem>>, %arg13: memref<!tpu.dma_semaphore, #tpu.memory_space<semaphore_mem>>, %arg14: memref<!tpu.dma_semaphore, #tpu.memory_space<semaphore_mem>>, %arg15: memref<10240x64xf32, #tpu.memory_space<vmem_shared>>, %arg16: memref<10240x64xf32, #tpu.memory_space<vmem_shared>>) attributes {dimension_semantics = [#tpu.dimension_semantics<core_parallel>, #tpu.dimension_semantics<subcore_parallel>], iteration_bounds = array<i64: 2, 16>, scalar_prefetch = 0 : i64, scratch_operands = 10 : i64, tpu.core_type = #tpu.core_type<sc_vector_subcore>, window_params = [{transform_indices = #map}, {transform_indices = #map}, {transform_indices = #map1}, {transform_indices = #map}, {transform_indices = #map}]} {
    %mul3A = arith.constant 640 : i32
    %mul3A_0 = arith.muli %arg1, %mul3A : i32
    %eq3A = arith.constant 0 : i32
    %eq3A_1 = arith.cmpi eq, %arg0, %eq3A : i32
    %convert_element_type3A = arith.extui %eq3A_1 : i1 to i32
    %cond3A = arith.constant 0 : i32
    %cond3A_2 = arith.cmpi ne, %convert_element_type3A, %cond3A : i32
    scf.if %cond3A_2 {
      "tpu.region"() ({
        %run_scoped3A_55 = tpu.sem_alloc : memref<!tpu.dma_semaphore, #tpu.memory_space<semaphore_mem>>
        %dma_start3A_56 = arith.constant 0 : i32
        %dma_start3A_57 = tpu.memref_slice %arg15[%mul3A_0, %dma_start3A_56] : memref<10240x64xf32, #tpu.memory_space<vmem_shared>> -> memref<640x64xf32, #tpu.memory_space<vmem_shared>>
        %dma_start3A_58 = arith.constant 0 : i32
        %dma_start3A_59 = tpu.memref_slice %arg2[%mul3A_0, %dma_start3A_58] : memref<10240x64xf32, #tpu.memory_space<hbm>> -> memref<640x64xf32, #tpu.memory_space<hbm>>
        tpu.enqueue_dma source(%dma_start3A_59 : memref<640x64xf32, #tpu.memory_space<hbm>>) target(%dma_start3A_57 : memref<640x64xf32, #tpu.memory_space<vmem_shared>>) target_semaphore(%run_scoped3A_55 : memref<!tpu.dma_semaphore, #tpu.memory_space<semaphore_mem>>)
        %dma_wait3A = arith.constant 0 : i32
        %dma_wait3A_60 = tpu.memref_slice %arg15[%mul3A_0, %dma_wait3A] : memref<10240x64xf32, #tpu.memory_space<vmem_shared>> -> memref<640x64xf32, #tpu.memory_space<vmem_shared>>
        %dma_wait3A_61 = arith.constant 0 : i32
        %dma_wait3A_62 = tpu.memref_slice %arg2[%mul3A_0, %dma_wait3A_61] : memref<10240x64xf32, #tpu.memory_space<hbm>> -> memref<640x64xf32, #tpu.memory_space<hbm>>
        tpu.wait_dma2 semaphore(%run_scoped3A_55 : memref<!tpu.dma_semaphore, #tpu.memory_space<semaphore_mem>>) src(%dma_wait3A_62 : memref<640x64xf32, #tpu.memory_space<hbm>>) dst(%dma_wait3A_60 : memref<640x64xf32, #tpu.memory_space<vmem_shared>>)
        tpu.yield
      }) : () -> ()
      "tpu.region"() ({
        %run_scoped3A_55 = tpu.sem_alloc : memref<!tpu.dma_semaphore, #tpu.memory_space<semaphore_mem>>
        %dma_start3A_56 = arith.constant 0 : i32
        %dma_start3A_57 = tpu.memref_slice %arg16[%mul3A_0, %dma_start3A_56] : memref<10240x64xf32, #tpu.memory_space<vmem_shared>> -> memref<640x64xf32, #tpu.memory_space<vmem_shared>>
        %dma_start3A_58 = arith.constant 0 : i32
        %dma_start3A_59 = tpu.memref_slice %arg2[%mul3A_0, %dma_start3A_58] : memref<10240x64xf32, #tpu.memory_space<hbm>> -> memref<640x64xf32, #tpu.memory_space<hbm>>
        tpu.enqueue_dma source(%dma_start3A_59 : memref<640x64xf32, #tpu.memory_space<hbm>>) target(%dma_start3A_57 : memref<640x64xf32, #tpu.memory_space<vmem_shared>>) target_semaphore(%run_scoped3A_55 : memref<!tpu.dma_semaphore, #tpu.memory_space<semaphore_mem>>)
        %dma_wait3A = arith.constant 0 : i32
        %dma_wait3A_60 = tpu.memref_slice %arg16[%mul3A_0, %dma_wait3A] : memref<10240x64xf32, #tpu.memory_space<vmem_shared>> -> memref<640x64xf32, #tpu.memory_space<vmem_shared>>
        %dma_wait3A_61 = arith.constant 0 : i32
        %dma_wait3A_62 = tpu.memref_slice %arg2[%mul3A_0, %dma_wait3A_61] : memref<10240x64xf32, #tpu.memory_space<hbm>> -> memref<640x64xf32, #tpu.memory_space<hbm>>
        tpu.wait_dma2 semaphore(%run_scoped3A_55 : memref<!tpu.dma_semaphore, #tpu.memory_space<semaphore_mem>>) src(%dma_wait3A_62 : memref<640x64xf32, #tpu.memory_space<hbm>>) dst(%dma_wait3A_60 : memref<640x64xf32, #tpu.memory_space<vmem_shared>>)
        tpu.yield
      }) : () -> ()
    } else {
    }
    %eq3A_3 = arith.constant 1 : i32
    %eq3A_4 = arith.cmpi eq, %arg0, %eq3A_3 : i32
    %convert_element_type3A_5 = arith.extui %eq3A_4 : i1 to i32
    %cond3A_6 = arith.constant 0 : i32
    %cond3A_7 = arith.cmpi ne, %convert_element_type3A_5, %cond3A_6 : i32
    scf.if %cond3A_7 {
      "tpu.region"() ({
        %run_scoped3A_55 = tpu.sem_alloc : memref<!tpu.dma_semaphore, #tpu.memory_space<semaphore_mem>>
        %dma_start3A_56 = arith.constant 0 : i32
        %dma_start3A_57 = tpu.memref_slice %arg15[%mul3A_0, %dma_start3A_56] : memref<10240x64xf32, #tpu.memory_space<vmem_shared>> -> memref<640x64xf32, #tpu.memory_space<vmem_shared>>
        %dma_start3A_58 = arith.constant 0 : i32
        %dma_start3A_59 = tpu.memref_slice %arg3[%mul3A_0, %dma_start3A_58] : memref<10240x64xf32, #tpu.memory_space<hbm>> -> memref<640x64xf32, #tpu.memory_space<hbm>>
        tpu.enqueue_dma source(%dma_start3A_59 : memref<640x64xf32, #tpu.memory_space<hbm>>) target(%dma_start3A_57 : memref<640x64xf32, #tpu.memory_space<vmem_shared>>) target_semaphore(%run_scoped3A_55 : memref<!tpu.dma_semaphore, #tpu.memory_space<semaphore_mem>>)
        %dma_wait3A = arith.constant 0 : i32
        %dma_wait3A_60 = tpu.memref_slice %arg15[%mul3A_0, %dma_wait3A] : memref<10240x64xf32, #tpu.memory_space<vmem_shared>> -> memref<640x64xf32, #tpu.memory_space<vmem_shared>>
        %dma_wait3A_61 = arith.constant 0 : i32
        %dma_wait3A_62 = tpu.memref_slice %arg3[%mul3A_0, %dma_wait3A_61] : memref<10240x64xf32, #tpu.memory_space<hbm>> -> memref<640x64xf32, #tpu.memory_space<hbm>>
        tpu.wait_dma2 semaphore(%run_scoped3A_55 : memref<!tpu.dma_semaphore, #tpu.memory_space<semaphore_mem>>) src(%dma_wait3A_62 : memref<640x64xf32, #tpu.memory_space<hbm>>) dst(%dma_wait3A_60 : memref<640x64xf32, #tpu.memory_space<vmem_shared>>)
        tpu.yield
      }) : () -> ()
      "tpu.region"() ({
        %run_scoped3A_55 = tpu.sem_alloc : memref<!tpu.dma_semaphore, #tpu.memory_space<semaphore_mem>>
        %dma_start3A_56 = arith.constant 0 : i32
        %dma_start3A_57 = tpu.memref_slice %arg16[%mul3A_0, %dma_start3A_56] : memref<10240x64xf32, #tpu.memory_space<vmem_shared>> -> memref<640x64xf32, #tpu.memory_space<vmem_shared>>
        %dma_start3A_58 = arith.constant 0 : i32
        %dma_start3A_59 = tpu.memref_slice %arg3[%mul3A_0, %dma_start3A_58] : memref<10240x64xf32, #tpu.memory_space<hbm>> -> memref<640x64xf32, #tpu.memory_space<hbm>>
        tpu.enqueue_dma source(%dma_start3A_59 : memref<640x64xf32, #tpu.memory_space<hbm>>) target(%dma_start3A_57 : memref<640x64xf32, #tpu.memory_space<vmem_shared>>) target_semaphore(%run_scoped3A_55 : memref<!tpu.dma_semaphore, #tpu.memory_space<semaphore_mem>>)
        %dma_wait3A = arith.constant 0 : i32
        %dma_wait3A_60 = tpu.memref_slice %arg16[%mul3A_0, %dma_wait3A] : memref<10240x64xf32, #tpu.memory_space<vmem_shared>> -> memref<640x64xf32, #tpu.memory_space<vmem_shared>>
        %dma_wait3A_61 = arith.constant 0 : i32
        %dma_wait3A_62 = tpu.memref_slice %arg3[%mul3A_0, %dma_wait3A_61] : memref<10240x64xf32, #tpu.memory_space<hbm>> -> memref<640x64xf32, #tpu.memory_space<hbm>>
        tpu.wait_dma2 semaphore(%run_scoped3A_55 : memref<!tpu.dma_semaphore, #tpu.memory_space<semaphore_mem>>) src(%dma_wait3A_62 : memref<640x64xf32, #tpu.memory_space<hbm>>) dst(%dma_wait3A_60 : memref<640x64xf32, #tpu.memory_space<vmem_shared>>)
        tpu.yield
      }) : () -> ()
    } else {
    }
    %barrier3A = arith.constant 0 : index
    tpu.barrier barrier_id(%barrier3A)
    %mul3A_8 = arith.constant 156 : i32
    %mul3A_9 = arith.muli %arg1, %mul3A_8 : i32
    %min3A = arith.constant 4 : i32
    %min3A_10 = arith.minsi %arg1, %min3A : i32
    %add3A = arith.addi %mul3A_9, %min3A_10 : i32
    %lt3A = arith.constant 4 : i32
    %lt3A_11 = arith.cmpi slt, %arg1, %lt3A : i32
    %add3A_12 = arith.constant 0 : i32
    %add3A_13 = arith.addi %add3A, %add3A_12 : i32
    %run_scoped3A = arith.constant 0 : i32
    "tpu.region"() ({
      %run_scoped3A_55 = tpu.sem_alloc : memref<!tpu.dma_semaphore, #tpu.memory_space<semaphore_mem>>
      %dma_start3A_56 = arith.constant 0 : i32
      %dma_start3A_57 = tpu.memref_slice %arg4[%run_scoped3A, %add3A_13, %dma_start3A_56] : memref<2x2500x128xi32, #tpu.memory_space<hbm>> -> memref<1x78x128xi32, #tpu.memory_space<hbm>>
      %dma_start3A_58 = tpu.memref_squeeze %dma_start3A_57 : memref<1x78x128xi32, #tpu.memory_space<hbm>> -> memref<78x128xi32, #tpu.memory_space<hbm>>
      %dma_start3A_59 = arith.constant 0 : i32
      %dma_start3A_60 = tpu.memref_slice %arg4[%run_scoped3A, %add3A_13, %dma_start3A_59] : memref<2x2500x128xi32, #tpu.memory_space<hbm>> -> memref<1x78x128xi32, #tpu.memory_space<hbm>>
      %dma_start3A_61 = tpu.memref_squeeze %dma_start3A_60 : memref<1x78x128xi32, #tpu.memory_space<hbm>> -> memref<78x128xi32, #tpu.memory_space<hbm>>
      tpu.enqueue_dma source(%dma_start3A_61 : memref<78x128xi32, #tpu.memory_space<hbm>>) target(%arg7 : memref<78x128xi32, #tpu.memory_space<vmem>>) target_semaphore(%run_scoped3A_55 : memref<!tpu.dma_semaphore, #tpu.memory_space<semaphore_mem>>)
      %dma_wait3A = arith.constant 0 : i32
      %dma_wait3A_62 = tpu.memref_slice %arg4[%run_scoped3A, %add3A_13, %dma_wait3A] : memref<2x2500x128xi32, #tpu.memory_space<hbm>> -> memref<1x78x128xi32, #tpu.memory_space<hbm>>
      %dma_wait3A_63 = tpu.memref_squeeze %dma_wait3A_62 : memref<1x78x128xi32, #tpu.memory_space<hbm>> -> memref<78x128xi32, #tpu.memory_space<hbm>>
      %dma_wait3A_64 = arith.constant 0 : i32
      %dma_wait3A_65 = tpu.memref_slice %arg4[%run_scoped3A, %add3A_13, %dma_wait3A_64] : memref<2x2500x128xi32, #tpu.memory_space<hbm>> -> memref<1x78x128xi32, #tpu.memory_space<hbm>>
      %dma_wait3A_66 = tpu.memref_squeeze %dma_wait3A_65 : memref<1x78x128xi32, #tpu.memory_space<hbm>> -> memref<78x128xi32, #tpu.memory_space<hbm>>
      tpu.wait_dma2 semaphore(%run_scoped3A_55 : memref<!tpu.dma_semaphore, #tpu.memory_space<semaphore_mem>>) src(%dma_wait3A_66 : memref<78x128xi32, #tpu.memory_space<hbm>>) dst(%arg7 : memref<78x128xi32, #tpu.memory_space<vmem>>)
      tpu.yield
    }) : () -> ()
    %run_scoped3A_14 = arith.constant 1 : i32
    "tpu.region"() ({
      %run_scoped3A_55 = tpu.sem_alloc : memref<!tpu.dma_semaphore, #tpu.memory_space<semaphore_mem>>
      %dma_start3A_56 = arith.constant 0 : i32
      %dma_start3A_57 = tpu.memref_slice %arg4[%run_scoped3A_14, %add3A_13, %dma_start3A_56] : memref<2x2500x128xi32, #tpu.memory_space<hbm>> -> memref<1x78x128xi32, #tpu.memory_space<hbm>>
      %dma_start3A_58 = tpu.memref_squeeze %dma_start3A_57 : memref<1x78x128xi32, #tpu.memory_space<hbm>> -> memref<78x128xi32, #tpu.memory_space<hbm>>
      %dma_start3A_59 = arith.constant 0 : i32
      %dma_start3A_60 = tpu.memref_slice %arg4[%run_scoped3A_14, %add3A_13, %dma_start3A_59] : memref<2x2500x128xi32, #tpu.memory_space<hbm>> -> memref<1x78x128xi32, #tpu.memory_space<hbm>>
      %dma_start3A_61 = tpu.memref_squeeze %dma_start3A_60 : memref<1x78x128xi32, #tpu.memory_space<hbm>> -> memref<78x128xi32, #tpu.memory_space<hbm>>
      tpu.enqueue_dma source(%dma_start3A_61 : memref<78x128xi32, #tpu.memory_space<hbm>>) target(%arg8 : memref<78x128xi32, #tpu.memory_space<vmem>>) target_semaphore(%run_scoped3A_55 : memref<!tpu.dma_semaphore, #tpu.memory_space<semaphore_mem>>)
      %dma_wait3A = arith.constant 0 : i32
      %dma_wait3A_62 = tpu.memref_slice %arg4[%run_scoped3A_14, %add3A_13, %dma_wait3A] : memref<2x2500x128xi32, #tpu.memory_space<hbm>> -> memref<1x78x128xi32, #tpu.memory_space<hbm>>
      %dma_wait3A_63 = tpu.memref_squeeze %dma_wait3A_62 : memref<1x78x128xi32, #tpu.memory_space<hbm>> -> memref<78x128xi32, #tpu.memory_space<hbm>>
      %dma_wait3A_64 = arith.constant 0 : i32
      %dma_wait3A_65 = tpu.memref_slice %arg4[%run_scoped3A_14, %add3A_13, %dma_wait3A_64] : memref<2x2500x128xi32, #tpu.memory_space<hbm>> -> memref<1x78x128xi32, #tpu.memory_space<hbm>>
      %dma_wait3A_66 = tpu.memref_squeeze %dma_wait3A_65 : memref<1x78x128xi32, #tpu.memory_space<hbm>> -> memref<78x128xi32, #tpu.memory_space<hbm>>
      tpu.wait_dma2 semaphore(%run_scoped3A_55 : memref<!tpu.dma_semaphore, #tpu.memory_space<semaphore_mem>>) src(%dma_wait3A_66 : memref<78x128xi32, #tpu.memory_space<hbm>>) dst(%arg8 : memref<78x128xi32, #tpu.memory_space<vmem>>)
      tpu.yield
    }) : () -> ()
    %dma_start3A = arith.constant 0 : i32
    %dma_start3A_15 = arith.constant 0 : i32
    %dma_start3A_16 = tpu.memref_slice %arg7[%dma_start3A, %dma_start3A_15] : memref<78x128xi32, #tpu.memory_space<vmem>> -> memref<1x128xi32, #tpu.memory_space<vmem>>
    %dma_start3A_17 = tpu.memref_squeeze %dma_start3A_16 : memref<1x128xi32, #tpu.memory_space<vmem>> -> memref<128xi32, #tpu.memory_space<vmem>>
    %dma_start3A_18 = arith.constant 0 : i32
    %dma_start3A_19 = arith.constant 0 : i32
    %dma_start3A_20 = tpu.memref_slice %arg15[%dma_start3A_18, %dma_start3A_19] : memref<10240x64xf32, #tpu.memory_space<vmem_shared>> -> memref<10240x64xf32, #tpu.memory_space<vmem_shared>>
    tpu.enqueue_indirect_dma source(%dma_start3A_20 : memref<10240x64xf32, #tpu.memory_space<vmem_shared>>) target(%arg11 : memref<128x64xf32, #tpu.memory_space<vmem>>) offsets(%dma_start3A_17 : memref<128xi32, #tpu.memory_space<vmem>>) semaphore(%arg13 : memref<!tpu.dma_semaphore, #tpu.memory_space<semaphore_mem>>)
    %scan3A = arith.constant 0 : i32
    %scan3A_21 = arith.constant 39 : i32
    %scan3A_22 = arith.addi %scan3A, %scan3A_21 : i32
    %scan3A_23 = arith.constant 1 : i32
    scf.for %scan3A_55 = %scan3A to %scan3A_22 step %scan3A_23  : i32 {
      %mul3A_56 = arith.constant 2 : i32
      %mul3A_57 = arith.muli %mul3A_56, %scan3A_55 : i32
      %add3A_58 = arith.constant 1 : i32
      %add3A_59 = arith.addi %mul3A_57, %add3A_58 : i32
      %dma_start3A_60 = arith.constant 0 : i32
      %dma_start3A_61 = tpu.memref_slice %arg7[%add3A_59, %dma_start3A_60] : memref<78x128xi32, #tpu.memory_space<vmem>> -> memref<1x128xi32, #tpu.memory_space<vmem>>
      %dma_start3A_62 = tpu.memref_squeeze %dma_start3A_61 : memref<1x128xi32, #tpu.memory_space<vmem>> -> memref<128xi32, #tpu.memory_space<vmem>>
      %dma_start3A_63 = arith.constant 0 : i32
      %dma_start3A_64 = arith.constant 0 : i32
      %dma_start3A_65 = tpu.memref_slice %arg15[%dma_start3A_63, %dma_start3A_64] : memref<10240x64xf32, #tpu.memory_space<vmem_shared>> -> memref<10240x64xf32, #tpu.memory_space<vmem_shared>>
      tpu.enqueue_indirect_dma source(%dma_start3A_65 : memref<10240x64xf32, #tpu.memory_space<vmem_shared>>) target(%arg12 : memref<128x64xf32, #tpu.memory_space<vmem>>) offsets(%dma_start3A_62 : memref<128xi32, #tpu.memory_space<vmem>>) semaphore(%arg14 : memref<!tpu.dma_semaphore, #tpu.memory_space<semaphore_mem>>)
      %dma_wait3A = arith.constant 0 : i32
      %dma_wait3A_66 = tpu.memref_slice %arg7[%mul3A_57, %dma_wait3A] : memref<78x128xi32, #tpu.memory_space<vmem>> -> memref<1x128xi32, #tpu.memory_space<vmem>>
      %dma_wait3A_67 = tpu.memref_squeeze %dma_wait3A_66 : memref<1x128xi32, #tpu.memory_space<vmem>> -> memref<128xi32, #tpu.memory_space<vmem>>
      %dma_wait3A_68 = arith.constant 0 : i32
      %dma_wait3A_69 = arith.constant 0 : i32
      %dma_wait3A_70 = tpu.memref_slice %arg15[%dma_wait3A_68, %dma_wait3A_69] : memref<10240x64xf32, #tpu.memory_space<vmem_shared>> -> memref<10240x64xf32, #tpu.memory_space<vmem_shared>>
      tpu.wait_indirect_dma semaphore(%arg13 : memref<!tpu.dma_semaphore, #tpu.memory_space<semaphore_mem>>) src(%dma_wait3A_70 : memref<10240x64xf32, #tpu.memory_space<vmem_shared>>) dst(%arg11 : memref<128x64xf32, #tpu.memory_space<vmem>>)
      "tpu.region"() ({
        %run_scoped3A_82 = tpu.sem_alloc : memref<!tpu.dma_semaphore, #tpu.memory_space<semaphore_mem>>
        %dma_start3A_83 = arith.constant 0 : i32
        %dma_start3A_84 = tpu.memref_slice %arg8[%mul3A_57, %dma_start3A_83] : memref<78x128xi32, #tpu.memory_space<vmem>> -> memref<1x128xi32, #tpu.memory_space<vmem>>
        %dma_start3A_85 = tpu.memref_squeeze %dma_start3A_84 : memref<1x128xi32, #tpu.memory_space<vmem>> -> memref<128xi32, #tpu.memory_space<vmem>>
        %dma_start3A_86 = arith.constant 0 : i32
        %dma_start3A_87 = arith.constant 0 : i32
        %dma_start3A_88 = tpu.memref_slice %arg16[%dma_start3A_86, %dma_start3A_87] : memref<10240x64xf32, #tpu.memory_space<vmem_shared>> -> memref<10240x64xf32, #tpu.memory_space<vmem_shared>>
        tpu.enqueue_indirect_dma source(%arg11 : memref<128x64xf32, #tpu.memory_space<vmem>>) target(%dma_start3A_88 : memref<10240x64xf32, #tpu.memory_space<vmem_shared>>) offsets(%dma_start3A_85 : memref<128xi32, #tpu.memory_space<vmem>>) semaphore(%run_scoped3A_82 : memref<!tpu.dma_semaphore, #tpu.memory_space<semaphore_mem>>) {add = true}
        %dma_wait3A_89 = arith.constant 0 : i32
        %dma_wait3A_90 = tpu.memref_slice %arg8[%mul3A_57, %dma_wait3A_89] : memref<78x128xi32, #tpu.memory_space<vmem>> -> memref<1x128xi32, #tpu.memory_space<vmem>>
        %dma_wait3A_91 = tpu.memref_squeeze %dma_wait3A_90 : memref<1x128xi32, #tpu.memory_space<vmem>> -> memref<128xi32, #tpu.memory_space<vmem>>
        %dma_wait3A_92 = arith.constant 0 : i32
        %dma_wait3A_93 = arith.constant 0 : i32
        %dma_wait3A_94 = tpu.memref_slice %arg16[%dma_wait3A_92, %dma_wait3A_93] : memref<10240x64xf32, #tpu.memory_space<vmem_shared>> -> memref<10240x64xf32, #tpu.memory_space<vmem_shared>>
        tpu.wait_indirect_dma semaphore(%run_scoped3A_82 : memref<!tpu.dma_semaphore, #tpu.memory_space<semaphore_mem>>) src(%arg11 : memref<128x64xf32, #tpu.memory_space<vmem>>) dst(%dma_wait3A_94 : memref<10240x64xf32, #tpu.memory_space<vmem_shared>>)
        tpu.yield
      }) : () -> ()
      %lt3A_71 = arith.constant 38 : i32
      %lt3A_72 = arith.cmpi slt, %scan3A_55, %lt3A_71 : i32
      %convert_element_type3A_73 = arith.extui %lt3A_72 : i1 to i32
      %cond3A_74 = arith.constant 0 : i32
      %cond3A_75 = arith.cmpi ne, %convert_element_type3A_73, %cond3A_74 : i32
      scf.if %cond3A_75 {
        %add3A_82 = arith.constant 2 : i32
        %add3A_83 = arith.addi %mul3A_57, %add3A_82 : i32
        %dma_start3A_84 = arith.constant 0 : i32
        %dma_start3A_85 = tpu.memref_slice %arg7[%add3A_83, %dma_start3A_84] : memref<78x128xi32, #tpu.memory_space<vmem>> -> memref<1x128xi32, #tpu.memory_space<vmem>>
        %dma_start3A_86 = tpu.memref_squeeze %dma_start3A_85 : memref<1x128xi32, #tpu.memory_space<vmem>> -> memref<128xi32, #tpu.memory_space<vmem>>
        %dma_start3A_87 = arith.constant 0 : i32
        %dma_start3A_88 = arith.constant 0 : i32
        %dma_start3A_89 = tpu.memref_slice %arg15[%dma_start3A_87, %dma_start3A_88] : memref<10240x64xf32, #tpu.memory_space<vmem_shared>> -> memref<10240x64xf32, #tpu.memory_space<vmem_shared>>
        tpu.enqueue_indirect_dma source(%dma_start3A_89 : memref<10240x64xf32, #tpu.memory_space<vmem_shared>>) target(%arg11 : memref<128x64xf32, #tpu.memory_space<vmem>>) offsets(%dma_start3A_86 : memref<128xi32, #tpu.memory_space<vmem>>) semaphore(%arg13 : memref<!tpu.dma_semaphore, #tpu.memory_space<semaphore_mem>>)
      } else {
      }
      %dma_wait3A_76 = arith.constant 0 : i32
      %dma_wait3A_77 = tpu.memref_slice %arg7[%add3A_59, %dma_wait3A_76] : memref<78x128xi32, #tpu.memory_space<vmem>> -> memref<1x128xi32, #tpu.memory_space<vmem>>
      %dma_wait3A_78 = tpu.memref_squeeze %dma_wait3A_77 : memref<1x128xi32, #tpu.memory_space<vmem>> -> memref<128xi32, #tpu.memory_space<vmem>>
      %dma_wait3A_79 = arith.constant 0 : i32
      %dma_wait3A_80 = arith.constant 0 : i32
      %dma_wait3A_81 = tpu.memref_slice %arg15[%dma_wait3A_79, %dma_wait3A_80] : memref<10240x64xf32, #tpu.memory_space<vmem_shared>> -> memref<10240x64xf32, #tpu.memory_space<vmem_shared>>
      tpu.wait_indirect_dma semaphore(%arg14 : memref<!tpu.dma_semaphore, #tpu.memory_space<semaphore_mem>>) src(%dma_wait3A_81 : memref<10240x64xf32, #tpu.memory_space<vmem_shared>>) dst(%arg12 : memref<128x64xf32, #tpu.memory_space<vmem>>)
      "tpu.region"() ({
        %run_scoped3A_82 = tpu.sem_alloc : memref<!tpu.dma_semaphore, #tpu.memory_space<semaphore_mem>>
        %dma_start3A_83 = arith.constant 0 : i32
        %dma_start3A_84 = tpu.memref_slice %arg8[%add3A_59, %dma_start3A_83] : memref<78x128xi32, #tpu.memory_space<vmem>> -> memref<1x128xi32, #tpu.memory_space<vmem>>
        %dma_start3A_85 = tpu.memref_squeeze %dma_start3A_84 : memref<1x128xi32, #tpu.memory_space<vmem>> -> memref<128xi32, #tpu.memory_space<vmem>>
        %dma_start3A_86 = arith.constant 0 : i32
        %dma_start3A_87 = arith.constant 0 : i32
        %dma_start3A_88 = tpu.memref_slice %arg16[%dma_start3A_86, %dma_start3A_87] : memref<10240x64xf32, #tpu.memory_space<vmem_shared>> -> memref<10240x64xf32, #tpu.memory_space<vmem_shared>>
        tpu.enqueue_indirect_dma source(%arg12 : memref<128x64xf32, #tpu.memory_space<vmem>>) target(%dma_start3A_88 : memref<10240x64xf32, #tpu.memory_space<vmem_shared>>) offsets(%dma_start3A_85 : memref<128xi32, #tpu.memory_space<vmem>>) semaphore(%run_scoped3A_82 : memref<!tpu.dma_semaphore, #tpu.memory_space<semaphore_mem>>) {add = true}
        %dma_wait3A_89 = arith.constant 0 : i32
        %dma_wait3A_90 = tpu.memref_slice %arg8[%add3A_59, %dma_wait3A_89] : memref<78x128xi32, #tpu.memory_space<vmem>> -> memref<1x128xi32, #tpu.memory_space<vmem>>
        %dma_wait3A_91 = tpu.memref_squeeze %dma_wait3A_90 : memref<1x128xi32, #tpu.memory_space<vmem>> -> memref<128xi32, #tpu.memory_space<vmem>>
        %dma_wait3A_92 = arith.constant 0 : i32
        %dma_wait3A_93 = arith.constant 0 : i32
        %dma_wait3A_94 = tpu.memref_slice %arg16[%dma_wait3A_92, %dma_wait3A_93] : memref<10240x64xf32, #tpu.memory_space<vmem_shared>> -> memref<10240x64xf32, #tpu.memory_space<vmem_shared>>
        tpu.wait_indirect_dma semaphore(%run_scoped3A_82 : memref<!tpu.dma_semaphore, #tpu.memory_space<semaphore_mem>>) src(%arg12 : memref<128x64xf32, #tpu.memory_space<vmem>>) dst(%dma_wait3A_94 : memref<10240x64xf32, #tpu.memory_space<vmem_shared>>)
        tpu.yield
      }) : () -> ()
    }
    %scan3A_24 = arith.constant 39 : i32
    %add3A_25 = arith.constant 78 : i32
    %add3A_26 = arith.addi %add3A, %add3A_25 : i32
    %run_scoped3A_27 = arith.constant 0 : i32
    "tpu.region"() ({
      %run_scoped3A_55 = tpu.sem_alloc : memref<!tpu.dma_semaphore, #tpu.memory_space<semaphore_mem>>
      %dma_start3A_56 = arith.constant 0 : i32
      %dma_start3A_57 = tpu.memref_slice %arg4[%run_scoped3A_27, %add3A_26, %dma_start3A_56] : memref<2x2500x128xi32, #tpu.memory_space<hbm>> -> memref<1x78x128xi32, #tpu.memory_space<hbm>>
      %dma_start3A_58 = tpu.memref_squeeze %dma_start3A_57 : memref<1x78x128xi32, #tpu.memory_space<hbm>> -> memref<78x128xi32, #tpu.memory_space<hbm>>
      %dma_start3A_59 = arith.constant 0 : i32
      %dma_start3A_60 = tpu.memref_slice %arg4[%run_scoped3A_27, %add3A_26, %dma_start3A_59] : memref<2x2500x128xi32, #tpu.memory_space<hbm>> -> memref<1x78x128xi32, #tpu.memory_space<hbm>>
      %dma_start3A_61 = tpu.memref_squeeze %dma_start3A_60 : memref<1x78x128xi32, #tpu.memory_space<hbm>> -> memref<78x128xi32, #tpu.memory_space<hbm>>
      tpu.enqueue_dma source(%dma_start3A_61 : memref<78x128xi32, #tpu.memory_space<hbm>>) target(%arg7 : memref<78x128xi32, #tpu.memory_space<vmem>>) target_semaphore(%run_scoped3A_55 : memref<!tpu.dma_semaphore, #tpu.memory_space<semaphore_mem>>)
      %dma_wait3A = arith.constant 0 : i32
      %dma_wait3A_62 = tpu.memref_slice %arg4[%run_scoped3A_27, %add3A_26, %dma_wait3A] : memref<2x2500x128xi32, #tpu.memory_space<hbm>> -> memref<1x78x128xi32, #tpu.memory_space<hbm>>
      %dma_wait3A_63 = tpu.memref_squeeze %dma_wait3A_62 : memref<1x78x128xi32, #tpu.memory_space<hbm>> -> memref<78x128xi32, #tpu.memory_space<hbm>>
      %dma_wait3A_64 = arith.constant 0 : i32
      %dma_wait3A_65 = tpu.memref_slice %arg4[%run_scoped3A_27, %add3A_26, %dma_wait3A_64] : memref<2x2500x128xi32, #tpu.memory_space<hbm>> -> memref<1x78x128xi32, #tpu.memory_space<hbm>>
      %dma_wait3A_66 = tpu.memref_squeeze %dma_wait3A_65 : memref<1x78x128xi32, #tpu.memory_space<hbm>> -> memref<78x128xi32, #tpu.memory_space<hbm>>
      tpu.wait_dma2 semaphore(%run_scoped3A_55 : memref<!tpu.dma_semaphore, #tpu.memory_space<semaphore_mem>>) src(%dma_wait3A_66 : memref<78x128xi32, #tpu.memory_space<hbm>>) dst(%arg7 : memref<78x128xi32, #tpu.memory_space<vmem>>)
      tpu.yield
    }) : () -> ()
    %run_scoped3A_28 = arith.constant 1 : i32
    "tpu.region"() ({
      %run_scoped3A_55 = tpu.sem_alloc : memref<!tpu.dma_semaphore, #tpu.memory_space<semaphore_mem>>
      %dma_start3A_56 = arith.constant 0 : i32
      %dma_start3A_57 = tpu.memref_slice %arg4[%run_scoped3A_28, %add3A_26, %dma_start3A_56] : memref<2x2500x128xi32, #tpu.memory_space<hbm>> -> memref<1x78x128xi32, #tpu.memory_space<hbm>>
      %dma_start3A_58 = tpu.memref_squeeze %dma_start3A_57 : memref<1x78x128xi32, #tpu.memory_space<hbm>> -> memref<78x128xi32, #tpu.memory_space<hbm>>
      %dma_start3A_59 = arith.constant 0 : i32
      %dma_start3A_60 = tpu.memref_slice %arg4[%run_scoped3A_28, %add3A_26, %dma_start3A_59] : memref<2x2500x128xi32, #tpu.memory_space<hbm>> -> memref<1x78x128xi32, #tpu.memory_space<hbm>>
      %dma_start3A_61 = tpu.memref_squeeze %dma_start3A_60 : memref<1x78x128xi32, #tpu.memory_space<hbm>> -> memref<78x128xi32, #tpu.memory_space<hbm>>
      tpu.enqueue_dma source(%dma_start3A_61 : memref<78x128xi32, #tpu.memory_space<hbm>>) target(%arg8 : memref<78x128xi32, #tpu.memory_space<vmem>>) target_semaphore(%run_scoped3A_55 : memref<!tpu.dma_semaphore, #tpu.memory_space<semaphore_mem>>)
      %dma_wait3A = arith.constant 0 : i32
      %dma_wait3A_62 = tpu.memref_slice %arg4[%run_scoped3A_28, %add3A_26, %dma_wait3A] : memref<2x2500x128xi32, #tpu.memory_space<hbm>> -> memref<1x78x128xi32, #tpu.memory_space<hbm>>
      %dma_wait3A_63 = tpu.memref_squeeze %dma_wait3A_62 : memref<1x78x128xi32, #tpu.memory_space<hbm>> -> memref<78x128xi32, #tpu.memory_space<hbm>>
      %dma_wait3A_64 = arith.constant 0 : i32
      %dma_wait3A_65 = tpu.memref_slice %arg4[%run_scoped3A_28, %add3A_26, %dma_wait3A_64] : memref<2x2500x128xi32, #tpu.memory_space<hbm>> -> memref<1x78x128xi32, #tpu.memory_space<hbm>>
      %dma_wait3A_66 = tpu.memref_squeeze %dma_wait3A_65 : memref<1x78x128xi32, #tpu.memory_space<hbm>> -> memref<78x128xi32, #tpu.memory_space<hbm>>
      tpu.wait_dma2 semaphore(%run_scoped3A_55 : memref<!tpu.dma_semaphore, #tpu.memory_space<semaphore_mem>>) src(%dma_wait3A_66 : memref<78x128xi32, #tpu.memory_space<hbm>>) dst(%arg8 : memref<78x128xi32, #tpu.memory_space<vmem>>)
      tpu.yield
    }) : () -> ()
    %dma_start3A_29 = arith.constant 0 : i32
    %dma_start3A_30 = arith.constant 0 : i32
    %dma_start3A_31 = tpu.memref_slice %arg7[%dma_start3A_29, %dma_start3A_30] : memref<78x128xi32, #tpu.memory_space<vmem>> -> memref<1x128xi32, #tpu.memory_space<vmem>>
    %dma_start3A_32 = tpu.memref_squeeze %dma_start3A_31 : memref<1x128xi32, #tpu.memory_space<vmem>> -> memref<128xi32, #tpu.memory_space<vmem>>
    %dma_start3A_33 = arith.constant 0 : i32
    %dma_start3A_34 = arith.constant 0 : i32
    %dma_start3A_35 = tpu.memref_slice %arg15[%dma_start3A_33, %dma_start3A_34] : memref<10240x64xf32, #tpu.memory_space<vmem_shared>> -> memref<10240x64xf32, #tpu.memory_space<vmem_shared>>
    tpu.enqueue_indirect_dma source(%dma_start3A_35 : memref<10240x64xf32, #tpu.memory_space<vmem_shared>>) target(%arg11 : memref<128x64xf32, #tpu.memory_space<vmem>>) offsets(%dma_start3A_32 : memref<128xi32, #tpu.memory_space<vmem>>) semaphore(%arg13 : memref<!tpu.dma_semaphore, #tpu.memory_space<semaphore_mem>>)
    %scan3A_36 = arith.constant 0 : i32
    %scan3A_37 = arith.constant 39 : i32
    %scan3A_38 = arith.addi %scan3A_36, %scan3A_37 : i32
    %scan3A_39 = arith.constant 1 : i32
    scf.for %scan3A_55 = %scan3A_36 to %scan3A_38 step %scan3A_39  : i32 {
      %mul3A_56 = arith.constant 2 : i32
      %mul3A_57 = arith.muli %mul3A_56, %scan3A_55 : i32
      %add3A_58 = arith.constant 1 : i32
      %add3A_59 = arith.addi %mul3A_57, %add3A_58 : i32
      %dma_start3A_60 = arith.constant 0 : i32
      %dma_start3A_61 = tpu.memref_slice %arg7[%add3A_59, %dma_start3A_60] : memref<78x128xi32, #tpu.memory_space<vmem>> -> memref<1x128xi32, #tpu.memory_space<vmem>>
      %dma_start3A_62 = tpu.memref_squeeze %dma_start3A_61 : memref<1x128xi32, #tpu.memory_space<vmem>> -> memref<128xi32, #tpu.memory_space<vmem>>
      %dma_start3A_63 = arith.constant 0 : i32
      %dma_start3A_64 = arith.constant 0 : i32
      %dma_start3A_65 = tpu.memref_slice %arg15[%dma_start3A_63, %dma_start3A_64] : memref<10240x64xf32, #tpu.memory_space<vmem_shared>> -> memref<10240x64xf32, #tpu.memory_space<vmem_shared>>
      tpu.enqueue_indirect_dma source(%dma_start3A_65 : memref<10240x64xf32, #tpu.memory_space<vmem_shared>>) target(%arg12 : memref<128x64xf32, #tpu.memory_space<vmem>>) offsets(%dma_start3A_62 : memref<128xi32, #tpu.memory_space<vmem>>) semaphore(%arg14 : memref<!tpu.dma_semaphore, #tpu.memory_space<semaphore_mem>>)
      %dma_wait3A = arith.constant 0 : i32
      %dma_wait3A_66 = tpu.memref_slice %arg7[%mul3A_57, %dma_wait3A] : memref<78x128xi32, #tpu.memory_space<vmem>> -> memref<1x128xi32, #tpu.memory_space<vmem>>
      %dma_wait3A_67 = tpu.memref_squeeze %dma_wait3A_66 : memref<1x128xi32, #tpu.memory_space<vmem>> -> memref<128xi32, #tpu.memory_space<vmem>>
      %dma_wait3A_68 = arith.constant 0 : i32
      %dma_wait3A_69 = arith.constant 0 : i32
      %dma_wait3A_70 = tpu.memref_slice %arg15[%dma_wait3A_68, %dma_wait3A_69] : memref<10240x64xf32, #tpu.memory_space<vmem_shared>> -> memref<10240x64xf32, #tpu.memory_space<vmem_shared>>
      tpu.wait_indirect_dma semaphore(%arg13 : memref<!tpu.dma_semaphore, #tpu.memory_space<semaphore_mem>>) src(%dma_wait3A_70 : memref<10240x64xf32, #tpu.memory_space<vmem_shared>>) dst(%arg11 : memref<128x64xf32, #tpu.memory_space<vmem>>)
      "tpu.region"() ({
        %run_scoped3A_82 = tpu.sem_alloc : memref<!tpu.dma_semaphore, #tpu.memory_space<semaphore_mem>>
        %dma_start3A_83 = arith.constant 0 : i32
        %dma_start3A_84 = tpu.memref_slice %arg8[%mul3A_57, %dma_start3A_83] : memref<78x128xi32, #tpu.memory_space<vmem>> -> memref<1x128xi32, #tpu.memory_space<vmem>>
        %dma_start3A_85 = tpu.memref_squeeze %dma_start3A_84 : memref<1x128xi32, #tpu.memory_space<vmem>> -> memref<128xi32, #tpu.memory_space<vmem>>
        %dma_start3A_86 = arith.constant 0 : i32
        %dma_start3A_87 = arith.constant 0 : i32
        %dma_start3A_88 = tpu.memref_slice %arg16[%dma_start3A_86, %dma_start3A_87] : memref<10240x64xf32, #tpu.memory_space<vmem_shared>> -> memref<10240x64xf32, #tpu.memory_space<vmem_shared>>
        tpu.enqueue_indirect_dma source(%arg11 : memref<128x64xf32, #tpu.memory_space<vmem>>) target(%dma_start3A_88 : memref<10240x64xf32, #tpu.memory_space<vmem_shared>>) offsets(%dma_start3A_85 : memref<128xi32, #tpu.memory_space<vmem>>) semaphore(%run_scoped3A_82 : memref<!tpu.dma_semaphore, #tpu.memory_space<semaphore_mem>>) {add = true}
        %dma_wait3A_89 = arith.constant 0 : i32
        %dma_wait3A_90 = tpu.memref_slice %arg8[%mul3A_57, %dma_wait3A_89] : memref<78x128xi32, #tpu.memory_space<vmem>> -> memref<1x128xi32, #tpu.memory_space<vmem>>
        %dma_wait3A_91 = tpu.memref_squeeze %dma_wait3A_90 : memref<1x128xi32, #tpu.memory_space<vmem>> -> memref<128xi32, #tpu.memory_space<vmem>>
        %dma_wait3A_92 = arith.constant 0 : i32
        %dma_wait3A_93 = arith.constant 0 : i32
        %dma_wait3A_94 = tpu.memref_slice %arg16[%dma_wait3A_92, %dma_wait3A_93] : memref<10240x64xf32, #tpu.memory_space<vmem_shared>> -> memref<10240x64xf32, #tpu.memory_space<vmem_shared>>
        tpu.wait_indirect_dma semaphore(%run_scoped3A_82 : memref<!tpu.dma_semaphore, #tpu.memory_space<semaphore_mem>>) src(%arg11 : memref<128x64xf32, #tpu.memory_space<vmem>>) dst(%dma_wait3A_94 : memref<10240x64xf32, #tpu.memory_space<vmem_shared>>)
        tpu.yield
      }) : () -> ()
      %lt3A_71 = arith.constant 38 : i32
      %lt3A_72 = arith.cmpi slt, %scan3A_55, %lt3A_71 : i32
      %convert_element_type3A_73 = arith.extui %lt3A_72 : i1 to i32
      %cond3A_74 = arith.constant 0 : i32
      %cond3A_75 = arith.cmpi ne, %convert_element_type3A_73, %cond3A_74 : i32
      scf.if %cond3A_75 {
        %add3A_82 = arith.constant 2 : i32
        %add3A_83 = arith.addi %mul3A_57, %add3A_82 : i32
        %dma_start3A_84 = arith.constant 0 : i32
        %dma_start3A_85 = tpu.memref_slice %arg7[%add3A_83, %dma_start3A_84] : memref<78x128xi32, #tpu.memory_space<vmem>> -> memref<1x128xi32, #tpu.memory_space<vmem>>
        %dma_start3A_86 = tpu.memref_squeeze %dma_start3A_85 : memref<1x128xi32, #tpu.memory_space<vmem>> -> memref<128xi32, #tpu.memory_space<vmem>>
        %dma_start3A_87 = arith.constant 0 : i32
        %dma_start3A_88 = arith.constant 0 : i32
        %dma_start3A_89 = tpu.memref_slice %arg15[%dma_start3A_87, %dma_start3A_88] : memref<10240x64xf32, #tpu.memory_space<vmem_shared>> -> memref<10240x64xf32, #tpu.memory_space<vmem_shared>>
        tpu.enqueue_indirect_dma source(%dma_start3A_89 : memref<10240x64xf32, #tpu.memory_space<vmem_shared>>) target(%arg11 : memref<128x64xf32, #tpu.memory_space<vmem>>) offsets(%dma_start3A_86 : memref<128xi32, #tpu.memory_space<vmem>>) semaphore(%arg13 : memref<!tpu.dma_semaphore, #tpu.memory_space<semaphore_mem>>)
      } else {
      }
      %dma_wait3A_76 = arith.constant 0 : i32
      %dma_wait3A_77 = tpu.memref_slice %arg7[%add3A_59, %dma_wait3A_76] : memref<78x128xi32, #tpu.memory_space<vmem>> -> memref<1x128xi32, #tpu.memory_space<vmem>>
      %dma_wait3A_78 = tpu.memref_squeeze %dma_wait3A_77 : memref<1x128xi32, #tpu.memory_space<vmem>> -> memref<128xi32, #tpu.memory_space<vmem>>
      %dma_wait3A_79 = arith.constant 0 : i32
      %dma_wait3A_80 = arith.constant 0 : i32
      %dma_wait3A_81 = tpu.memref_slice %arg15[%dma_wait3A_79, %dma_wait3A_80] : memref<10240x64xf32, #tpu.memory_space<vmem_shared>> -> memref<10240x64xf32, #tpu.memory_space<vmem_shared>>
      tpu.wait_indirect_dma semaphore(%arg14 : memref<!tpu.dma_semaphore, #tpu.memory_space<semaphore_mem>>) src(%dma_wait3A_81 : memref<10240x64xf32, #tpu.memory_space<vmem_shared>>) dst(%arg12 : memref<128x64xf32, #tpu.memory_space<vmem>>)
      "tpu.region"() ({
        %run_scoped3A_82 = tpu.sem_alloc : memref<!tpu.dma_semaphore, #tpu.memory_space<semaphore_mem>>
        %dma_start3A_83 = arith.constant 0 : i32
        %dma_start3A_84 = tpu.memref_slice %arg8[%add3A_59, %dma_start3A_83] : memref<78x128xi32, #tpu.memory_space<vmem>> -> memref<1x128xi32, #tpu.memory_space<vmem>>
        %dma_start3A_85 = tpu.memref_squeeze %dma_start3A_84 : memref<1x128xi32, #tpu.memory_space<vmem>> -> memref<128xi32, #tpu.memory_space<vmem>>
        %dma_start3A_86 = arith.constant 0 : i32
        %dma_start3A_87 = arith.constant 0 : i32
        %dma_start3A_88 = tpu.memref_slice %arg16[%dma_start3A_86, %dma_start3A_87] : memref<10240x64xf32, #tpu.memory_space<vmem_shared>> -> memref<10240x64xf32, #tpu.memory_space<vmem_shared>>
        tpu.enqueue_indirect_dma source(%arg12 : memref<128x64xf32, #tpu.memory_space<vmem>>) target(%dma_start3A_88 : memref<10240x64xf32, #tpu.memory_space<vmem_shared>>) offsets(%dma_start3A_85 : memref<128xi32, #tpu.memory_space<vmem>>) semaphore(%run_scoped3A_82 : memref<!tpu.dma_semaphore, #tpu.memory_space<semaphore_mem>>) {add = true}
        %dma_wait3A_89 = arith.constant 0 : i32
        %dma_wait3A_90 = tpu.memref_slice %arg8[%add3A_59, %dma_wait3A_89] : memref<78x128xi32, #tpu.memory_space<vmem>> -> memref<1x128xi32, #tpu.memory_space<vmem>>
        %dma_wait3A_91 = tpu.memref_squeeze %dma_wait3A_90 : memref<1x128xi32, #tpu.memory_space<vmem>> -> memref<128xi32, #tpu.memory_space<vmem>>
        %dma_wait3A_92 = arith.constant 0 : i32
        %dma_wait3A_93 = arith.constant 0 : i32
        %dma_wait3A_94 = tpu.memref_slice %arg16[%dma_wait3A_92, %dma_wait3A_93] : memref<10240x64xf32, #tpu.memory_space<vmem_shared>> -> memref<10240x64xf32, #tpu.memory_space<vmem_shared>>
        tpu.wait_indirect_dma semaphore(%run_scoped3A_82 : memref<!tpu.dma_semaphore, #tpu.memory_space<semaphore_mem>>) src(%arg12 : memref<128x64xf32, #tpu.memory_space<vmem>>) dst(%dma_wait3A_94 : memref<10240x64xf32, #tpu.memory_space<vmem_shared>>)
        tpu.yield
      }) : () -> ()
    }
    %scan3A_40 = arith.constant 39 : i32
    %convert_element_type3A_41 = arith.extui %lt3A_11 : i1 to i32
    %cond3A_42 = arith.constant 0 : i32
    %cond3A_43 = arith.cmpi ne, %convert_element_type3A_41, %cond3A_42 : i32
    scf.if %cond3A_43 {
      %add3A_55 = arith.constant 156 : i32
      %add3A_56 = arith.addi %add3A, %add3A_55 : i32
      %run_scoped3A_57 = arith.constant 0 : i32
      "tpu.region"() ({
        %run_scoped3A_66 = tpu.sem_alloc : memref<!tpu.dma_semaphore, #tpu.memory_space<semaphore_mem>>
        %dma_start3A_67 = arith.constant 0 : i32
        %dma_start3A_68 = tpu.memref_slice %arg4[%run_scoped3A_57, %add3A_56, %dma_start3A_67] : memref<2x2500x128xi32, #tpu.memory_space<hbm>> -> memref<1x1x128xi32, #tpu.memory_space<hbm>>
        %dma_start3A_69 = tpu.memref_squeeze %dma_start3A_68 : memref<1x1x128xi32, #tpu.memory_space<hbm>> -> memref<128xi32, #tpu.memory_space<hbm>>
        %dma_start3A_70 = arith.constant 0 : i32
        %dma_start3A_71 = tpu.memref_slice %arg4[%run_scoped3A_57, %add3A_56, %dma_start3A_70] : memref<2x2500x128xi32, #tpu.memory_space<hbm>> -> memref<1x1x128xi32, #tpu.memory_space<hbm>>
        %dma_start3A_72 = tpu.memref_squeeze %dma_start3A_71 : memref<1x1x128xi32, #tpu.memory_space<hbm>> -> memref<128xi32, #tpu.memory_space<hbm>>
        tpu.enqueue_dma source(%dma_start3A_72 : memref<128xi32, #tpu.memory_space<hbm>>) target(%arg9 : memref<128xi32, #tpu.memory_space<vmem>>) target_semaphore(%run_scoped3A_66 : memref<!tpu.dma_semaphore, #tpu.memory_space<semaphore_mem>>)
        %dma_wait3A_73 = arith.constant 0 : i32
        %dma_wait3A_74 = tpu.memref_slice %arg4[%run_scoped3A_57, %add3A_56, %dma_wait3A_73] : memref<2x2500x128xi32, #tpu.memory_space<hbm>> -> memref<1x1x128xi32, #tpu.memory_space<hbm>>
        %dma_wait3A_75 = tpu.memref_squeeze %dma_wait3A_74 : memref<1x1x128xi32, #tpu.memory_space<hbm>> -> memref<128xi32, #tpu.memory_space<hbm>>
        %dma_wait3A_76 = arith.constant 0 : i32
        %dma_wait3A_77 = tpu.memref_slice %arg4[%run_scoped3A_57, %add3A_56, %dma_wait3A_76] : memref<2x2500x128xi32, #tpu.memory_space<hbm>> -> memref<1x1x128xi32, #tpu.memory_space<hbm>>
        %dma_wait3A_78 = tpu.memref_squeeze %dma_wait3A_77 : memref<1x1x128xi32, #tpu.memory_space<hbm>> -> memref<128xi32, #tpu.memory_space<hbm>>
        tpu.wait_dma2 semaphore(%run_scoped3A_66 : memref<!tpu.dma_semaphore, #tpu.memory_space<semaphore_mem>>) src(%dma_wait3A_78 : memref<128xi32, #tpu.memory_space<hbm>>) dst(%arg9 : memref<128xi32, #tpu.memory_space<vmem>>)
        tpu.yield
      }) : () -> ()
      %add3A_58 = arith.constant 156 : i32
      %add3A_59 = arith.addi %add3A, %add3A_58 : i32
      %run_scoped3A_60 = arith.constant 1 : i32
      "tpu.region"() ({
        %run_scoped3A_66 = tpu.sem_alloc : memref<!tpu.dma_semaphore, #tpu.memory_space<semaphore_mem>>
        %dma_start3A_67 = arith.constant 0 : i32
        %dma_start3A_68 = tpu.memref_slice %arg4[%run_scoped3A_60, %add3A_59, %dma_start3A_67] : memref<2x2500x128xi32, #tpu.memory_space<hbm>> -> memref<1x1x128xi32, #tpu.memory_space<hbm>>
        %dma_start3A_69 = tpu.memref_squeeze %dma_start3A_68 : memref<1x1x128xi32, #tpu.memory_space<hbm>> -> memref<128xi32, #tpu.memory_space<hbm>>
        %dma_start3A_70 = arith.constant 0 : i32
        %dma_start3A_71 = tpu.memref_slice %arg4[%run_scoped3A_60, %add3A_59, %dma_start3A_70] : memref<2x2500x128xi32, #tpu.memory_space<hbm>> -> memref<1x1x128xi32, #tpu.memory_space<hbm>>
        %dma_start3A_72 = tpu.memref_squeeze %dma_start3A_71 : memref<1x1x128xi32, #tpu.memory_space<hbm>> -> memref<128xi32, #tpu.memory_space<hbm>>
        tpu.enqueue_dma source(%dma_start3A_72 : memref<128xi32, #tpu.memory_space<hbm>>) target(%arg10 : memref<128xi32, #tpu.memory_space<vmem>>) target_semaphore(%run_scoped3A_66 : memref<!tpu.dma_semaphore, #tpu.memory_space<semaphore_mem>>)
        %dma_wait3A_73 = arith.constant 0 : i32
        %dma_wait3A_74 = tpu.memref_slice %arg4[%run_scoped3A_60, %add3A_59, %dma_wait3A_73] : memref<2x2500x128xi32, #tpu.memory_space<hbm>> -> memref<1x1x128xi32, #tpu.memory_space<hbm>>
        %dma_wait3A_75 = tpu.memref_squeeze %dma_wait3A_74 : memref<1x1x128xi32, #tpu.memory_space<hbm>> -> memref<128xi32, #tpu.memory_space<hbm>>
        %dma_wait3A_76 = arith.constant 0 : i32
        %dma_wait3A_77 = tpu.memref_slice %arg4[%run_scoped3A_60, %add3A_59, %dma_wait3A_76] : memref<2x2500x128xi32, #tpu.memory_space<hbm>> -> memref<1x1x128xi32, #tpu.memory_space<hbm>>
        %dma_wait3A_78 = tpu.memref_squeeze %dma_wait3A_77 : memref<1x1x128xi32, #tpu.memory_space<hbm>> -> memref<128xi32, #tpu.memory_space<hbm>>
        tpu.wait_dma2 semaphore(%run_scoped3A_66 : memref<!tpu.dma_semaphore, #tpu.memory_space<semaphore_mem>>) src(%dma_wait3A_78 : memref<128xi32, #tpu.memory_space<hbm>>) dst(%arg10 : memref<128xi32, #tpu.memory_space<vmem>>)
        tpu.yield
      }) : () -> ()
      %dma_start3A_61 = arith.constant 0 : i32
      %dma_start3A_62 = arith.constant 0 : i32
      %dma_start3A_63 = tpu.memref_slice %arg15[%dma_start3A_61, %dma_start3A_62] : memref<10240x64xf32, #tpu.memory_space<vmem_shared>> -> memref<10240x64xf32, #tpu.memory_space<vmem_shared>>
      tpu.enqueue_indirect_dma source(%dma_start3A_63 : memref<10240x64xf32, #tpu.memory_space<vmem_shared>>) target(%arg11 : memref<128x64xf32, #tpu.memory_space<vmem>>) offsets(%arg9 : memref<128xi32, #tpu.memory_space<vmem>>) semaphore(%arg13 : memref<!tpu.dma_semaphore, #tpu.memory_space<semaphore_mem>>)
      %dma_wait3A = arith.constant 0 : i32
      %dma_wait3A_64 = arith.constant 0 : i32
      %dma_wait3A_65 = tpu.memref_slice %arg15[%dma_wait3A, %dma_wait3A_64] : memref<10240x64xf32, #tpu.memory_space<vmem_shared>> -> memref<10240x64xf32, #tpu.memory_space<vmem_shared>>
      tpu.wait_indirect_dma semaphore(%arg13 : memref<!tpu.dma_semaphore, #tpu.memory_space<semaphore_mem>>) src(%dma_wait3A_65 : memref<10240x64xf32, #tpu.memory_space<vmem_shared>>) dst(%arg11 : memref<128x64xf32, #tpu.memory_space<vmem>>)
      "tpu.region"() ({
        %run_scoped3A_66 = tpu.sem_alloc : memref<!tpu.dma_semaphore, #tpu.memory_space<semaphore_mem>>
        %dma_start3A_67 = arith.constant 0 : i32
        %dma_start3A_68 = arith.constant 0 : i32
        %dma_start3A_69 = tpu.memref_slice %arg16[%dma_start3A_67, %dma_start3A_68] : memref<10240x64xf32, #tpu.memory_space<vmem_shared>> -> memref<10240x64xf32, #tpu.memory_space<vmem_shared>>
        tpu.enqueue_indirect_dma source(%arg11 : memref<128x64xf32, #tpu.memory_space<vmem>>) target(%dma_start3A_69 : memref<10240x64xf32, #tpu.memory_space<vmem_shared>>) offsets(%arg10 : memref<128xi32, #tpu.memory_space<vmem>>) semaphore(%run_scoped3A_66 : memref<!tpu.dma_semaphore, #tpu.memory_space<semaphore_mem>>) {add = true}
        %dma_wait3A_70 = arith.constant 0 : i32
        %dma_wait3A_71 = arith.constant 0 : i32
        %dma_wait3A_72 = tpu.memref_slice %arg16[%dma_wait3A_70, %dma_wait3A_71] : memref<10240x64xf32, #tpu.memory_space<vmem_shared>> -> memref<10240x64xf32, #tpu.memory_space<vmem_shared>>
        tpu.wait_indirect_dma semaphore(%run_scoped3A_66 : memref<!tpu.dma_semaphore, #tpu.memory_space<semaphore_mem>>) src(%arg11 : memref<128x64xf32, #tpu.memory_space<vmem>>) dst(%dma_wait3A_72 : memref<10240x64xf32, #tpu.memory_space<vmem_shared>>)
        tpu.yield
      }) : () -> ()
    } else {
    }
    %barrier3A_44 = arith.constant 0 : index
    tpu.barrier barrier_id(%barrier3A_44)
    %eq3A_45 = arith.constant 0 : i32
    %eq3A_46 = arith.cmpi eq, %arg0, %eq3A_45 : i32
    %convert_element_type3A_47 = arith.extui %eq3A_46 : i1 to i32
    %cond3A_48 = arith.constant 0 : i32
    %cond3A_49 = arith.cmpi ne, %convert_element_type3A_47, %cond3A_48 : i32
    scf.if %cond3A_49 {
      "tpu.region"() ({
        %run_scoped3A_55 = tpu.sem_alloc : memref<!tpu.dma_semaphore, #tpu.memory_space<semaphore_mem>>
        %dma_start3A_56 = arith.constant 0 : i32
        %dma_start3A_57 = tpu.memref_slice %arg5[%mul3A_0, %dma_start3A_56] : memref<10240x64xf32, #tpu.memory_space<hbm>> -> memref<640x64xf32, #tpu.memory_space<hbm>>
        %dma_start3A_58 = arith.constant 0 : i32
        %dma_start3A_59 = tpu.memref_slice %arg16[%mul3A_0, %dma_start3A_58] : memref<10240x64xf32, #tpu.memory_space<vmem_shared>> -> memref<640x64xf32, #tpu.memory_space<vmem_shared>>
        tpu.enqueue_dma source(%dma_start3A_59 : memref<640x64xf32, #tpu.memory_space<vmem_shared>>) target(%dma_start3A_57 : memref<640x64xf32, #tpu.memory_space<hbm>>) target_semaphore(%run_scoped3A_55 : memref<!tpu.dma_semaphore, #tpu.memory_space<semaphore_mem>>)
        %dma_wait3A = arith.constant 0 : i32
        %dma_wait3A_60 = tpu.memref_slice %arg5[%mul3A_0, %dma_wait3A] : memref<10240x64xf32, #tpu.memory_space<hbm>> -> memref<640x64xf32, #tpu.memory_space<hbm>>
        %dma_wait3A_61 = arith.constant 0 : i32
        %dma_wait3A_62 = tpu.memref_slice %arg16[%mul3A_0, %dma_wait3A_61] : memref<10240x64xf32, #tpu.memory_space<vmem_shared>> -> memref<640x64xf32, #tpu.memory_space<vmem_shared>>
        tpu.wait_dma2 semaphore(%run_scoped3A_55 : memref<!tpu.dma_semaphore, #tpu.memory_space<semaphore_mem>>) src(%dma_wait3A_62 : memref<640x64xf32, #tpu.memory_space<vmem_shared>>) dst(%dma_wait3A_60 : memref<640x64xf32, #tpu.memory_space<hbm>>)
        tpu.yield
      }) : () -> ()
    } else {
    }
    %eq3A_50 = arith.constant 1 : i32
    %eq3A_51 = arith.cmpi eq, %arg0, %eq3A_50 : i32
    %convert_element_type3A_52 = arith.extui %eq3A_51 : i1 to i32
    %cond3A_53 = arith.constant 0 : i32
    %cond3A_54 = arith.cmpi ne, %convert_element_type3A_52, %cond3A_53 : i32
    scf.if %cond3A_54 {
      "tpu.region"() ({
        %run_scoped3A_55 = tpu.sem_alloc : memref<!tpu.dma_semaphore, #tpu.memory_space<semaphore_mem>>
        %dma_start3A_56 = arith.constant 0 : i32
        %dma_start3A_57 = tpu.memref_slice %arg6[%mul3A_0, %dma_start3A_56] : memref<10240x64xf32, #tpu.memory_space<hbm>> -> memref<640x64xf32, #tpu.memory_space<hbm>>
        %dma_start3A_58 = arith.constant 0 : i32
        %dma_start3A_59 = tpu.memref_slice %arg16[%mul3A_0, %dma_start3A_58] : memref<10240x64xf32, #tpu.memory_space<vmem_shared>> -> memref<640x64xf32, #tpu.memory_space<vmem_shared>>
        tpu.enqueue_dma source(%dma_start3A_59 : memref<640x64xf32, #tpu.memory_space<vmem_shared>>) target(%dma_start3A_57 : memref<640x64xf32, #tpu.memory_space<hbm>>) target_semaphore(%run_scoped3A_55 : memref<!tpu.dma_semaphore, #tpu.memory_space<semaphore_mem>>)
        %dma_wait3A = arith.constant 0 : i32
        %dma_wait3A_60 = tpu.memref_slice %arg6[%mul3A_0, %dma_wait3A] : memref<10240x64xf32, #tpu.memory_space<hbm>> -> memref<640x64xf32, #tpu.memory_space<hbm>>
        %dma_wait3A_61 = arith.constant 0 : i32
        %dma_wait3A_62 = tpu.memref_slice %arg16[%mul3A_0, %dma_wait3A_61] : memref<10240x64xf32, #tpu.memory_space<vmem_shared>> -> memref<640x64xf32, #tpu.memory_space<vmem_shared>>
        tpu.wait_dma2 semaphore(%run_scoped3A_55 : memref<!tpu.dma_semaphore, #tpu.memory_space<semaphore_mem>>) src(%dma_wait3A_62 : memref<640x64xf32, #tpu.memory_space<vmem_shared>>) dst(%dma_wait3A_60 : memref<640x64xf32, #tpu.memory_space<hbm>>)
        tpu.yield
      }) : () -> ()
    } else {
    }
    return
  }
}

module attributes {stable_mosaic.version = 14 : i64} {
  func.func @_scale_mm_body(%arg0: i32, %arg1: memref<2000x128xf32, #tpu.memory_space<vmem>>, %arg2: memref<128x128xf32, #tpu.memory_space<vmem>>, %arg3: memref<2000x1xf32, #tpu.memory_space<vmem>>, %arg4: memref<2000x1xf32, #tpu.memory_space<vmem>>, %arg5: memref<2000x64xf32, #tpu.memory_space<vmem>>, %arg6: memref<2000x64xf32, #tpu.memory_space<vmem>>, %arg7: memref<2000x1xf32, #tpu.memory_space<vmem>>) attributes {dimension_semantics = [#tpu.dimension_semantics<arbitrary>], iteration_bounds = array<i64: 5>, scalar_prefetch = 0 : i64, scratch_operands = 0 : i64, tpu.core_type = #tpu.core_type<tc>, window_params = [{transform_indices = @transform_0, window_bounds = array<i64: 2000, 128>}, {pipeline_mode = #tpu.pipeline_mode<synchronous>, transform_indices = @transform_1, window_bounds = array<i64: 128, 128>}, {transform_indices = @transform_2, window_bounds = array<i64: 2000, 1>}, {transform_indices = @transform_3, window_bounds = array<i64: 2000, 1>}, {transform_indices = @transform_4, window_bounds = array<i64: 2000, 64>}, {transform_indices = @transform_5, window_bounds = array<i64: 2000, 64>}, {transform_indices = @transform_6, window_bounds = array<i64: 2000, 1>}]} {
    %get3A = arith.constant 0 : index
    %get3A_0 = arith.constant 0 : index
    %get3A_1 = vector.load %arg3[%get3A, %get3A_0] : memref<2000x1xf32, #tpu.memory_space<vmem>>, vector<2000x1xf32>
    %get3A_2 = arith.constant 0 : index
    %get3A_3 = arith.constant 0 : index
    %get3A_4 = vector.load %arg4[%get3A_2, %get3A_3] : memref<2000x1xf32, #tpu.memory_space<vmem>>, vector<2000x1xf32>
    %add3A = arith.addf %get3A_1, %get3A_4 : vector<2000x1xf32>
    %add3A_5 = arith.constant 1.000000e+00 : f32
    %add3A_6 = vector.broadcast %add3A_5 : f32 to vector<2000x1xf32>
    %add3A_7 = arith.addf %add3A, %add3A_6 : vector<2000x1xf32>
    %rsqrt3A = math.rsqrt %add3A_7 : vector<2000x1xf32>
    %get3A_8 = arith.constant 0 : index
    %get3A_9 = arith.constant 0 : index
    %get3A_10 = vector.load %arg1[%get3A_8, %get3A_9] : memref<2000x128xf32, #tpu.memory_space<vmem>>, vector<2000x128xf32>
    %get3A_11 = arith.constant 0 : index
    %get3A_12 = arith.constant 0 : index
    %get3A_13 = vector.load %arg2[%get3A_11, %get3A_12] : memref<128x128xf32, #tpu.memory_space<vmem>>, vector<128x128xf32>
    %dot_general3A = arith.constant dense<0.000000e+00> : vector<2000x128xf32>
    %dot_general3A_14 = tpu.matmul %get3A_10, %get3A_13, %dot_general3A {dimension_numbers = #tpu.dot_dimension_numbers<[1], [0], [0], [1], [0, 0, 1, 1], [], []>, transpose_lhs_hint = false} : vector<2000x128xf32>, vector<128x128xf32>, vector<2000x128xf32> -> vector<2000x128xf32>
    %mul3A = vector.broadcast %rsqrt3A : vector<2000x1xf32> to vector<2000x128xf32>
    %mul3A_15 = arith.mulf %dot_general3A_14, %mul3A : vector<2000x128xf32>
    %slice3A = vector.extract_strided_slice %mul3A_15 {offsets = [0, 0], sizes = [2000, 64], strides = [1, 1]} : vector<2000x128xf32> to vector<2000x64xf32>
    %swap3A = arith.constant 0 : index
    %swap3A_16 = arith.constant 0 : index
    %swap3A_17 = vector.load %arg5[%swap3A, %swap3A_16] : memref<2000x64xf32, #tpu.memory_space<vmem>>, vector<2000x64xf32>
    tpu.vector_store %arg5[%swap3A, %swap3A_16], %slice3A {strides = array<i32>} : memref<2000x64xf32, #tpu.memory_space<vmem>>, vector<2000x64xf32>,
    %slice3A_18 = vector.extract_strided_slice %mul3A_15 {offsets = [0, 64], sizes = [2000, 64], strides = [1, 1]} : vector<2000x128xf32> to vector<2000x64xf32>
    %swap3A_19 = arith.constant 0 : index
    %swap3A_20 = arith.constant 0 : index
    %swap3A_21 = vector.load %arg6[%swap3A_19, %swap3A_20] : memref<2000x64xf32, #tpu.memory_space<vmem>>, vector<2000x64xf32>
    tpu.vector_store %arg6[%swap3A_19, %swap3A_20], %slice3A_18 {strides = array<i32>} : memref<2000x64xf32, #tpu.memory_space<vmem>>, vector<2000x64xf32>,
    %swap3A_22 = arith.constant 0 : index
    %swap3A_23 = arith.constant 0 : index
    %swap3A_24 = vector.load %arg7[%swap3A_22, %swap3A_23] : memref<2000x1xf32, #tpu.memory_space<vmem>>, vector<2000x1xf32>
    tpu.vector_store %arg7[%swap3A_22, %swap3A_23], %rsqrt3A {strides = array<i32>} : memref<2000x1xf32, #tpu.memory_space<vmem>>, vector<2000x1xf32>,
    return
  }
  func.func @transform_0(%arg0: i32) -> (i32, i32) {
    %c0_i32 = arith.constant 0 : i32
    %c0_i32_0 = arith.constant 0 : i32
    return %arg0, %c0_i32 : i32, i32
  }
  func.func @transform_1(%arg0: i32) -> (i32, i32) {
    %c0_i32 = arith.constant 0 : i32
    %c0_i32_0 = arith.constant 0 : i32
    %c0_i32_1 = arith.constant 0 : i32
    return %c0_i32, %c0_i32_0 : i32, i32
  }
  func.func @transform_2(%arg0: i32) -> (i32, i32) {
    %c0_i32 = arith.constant 0 : i32
    %c0_i32_0 = arith.constant 0 : i32
    return %arg0, %c0_i32 : i32, i32
  }
  func.func @transform_3(%arg0: i32) -> (i32, i32) {
    %c0_i32 = arith.constant 0 : i32
    %c0_i32_0 = arith.constant 0 : i32
    return %arg0, %c0_i32 : i32, i32
  }
  func.func @transform_4(%arg0: i32) -> (i32, i32) {
    %c0_i32 = arith.constant 0 : i32
    %c0_i32_0 = arith.constant 0 : i32
    return %arg0, %c0_i32 : i32, i32
  }
  func.func @transform_5(%arg0: i32) -> (i32, i32) {
    %c0_i32 = arith.constant 0 : i32
    %c0_i32_0 = arith.constant 0 : i32
    return %arg0, %c0_i32 : i32, i32
  }
  func.func @transform_6(%arg0: i32) -> (i32, i32) {
    %c0_i32 = arith.constant 0 : i32
    %c0_i32_0 = arith.constant 0 : i32
    return %arg0, %c0_i32 : i32, i32
  }
}

module attributes {stable_mosaic.version = 14 : i64} {
  func.func @_mid_body(%arg0: i32, %arg1: memref<2000x64xf32, #tpu.memory_space<vmem>>, %arg2: memref<2000x64xf32, #tpu.memory_space<vmem>>, %arg3: memref<2000x1xf32, #tpu.memory_space<vmem>>, %arg4: memref<64x16xf32, #tpu.memory_space<vmem>>, %arg5: memref<64x16xf32, #tpu.memory_space<vmem>>, %arg6: memref<1x128xf32, #tpu.memory_space<vmem>>, %arg7: memref<2000x16xf32, #tpu.memory_space<vmem>>) attributes {dimension_semantics = [#tpu.dimension_semantics<arbitrary>], iteration_bounds = array<i64: 5>, scalar_prefetch = 0 : i64, scratch_operands = 0 : i64, tpu.core_type = #tpu.core_type<tc>, window_params = [{transform_indices = @transform_0, window_bounds = array<i64: 2000, 64>}, {transform_indices = @transform_1, window_bounds = array<i64: 2000, 64>}, {transform_indices = @transform_2, window_bounds = array<i64: 2000, 1>}, {transform_indices = @transform_3, window_bounds = array<i64: 64, 16>}, {transform_indices = @transform_4, window_bounds = array<i64: 64, 16>}, {pipeline_mode = #tpu.pipeline_mode<synchronous>, transform_indices = @transform_5, window_bounds = array<i64: 1, 128>}, {transform_indices = @transform_6, window_bounds = array<i64: 2000, 16>}]} {
    %get3A = arith.constant 0 : index
    %get3A_0 = arith.constant 0 : index
    %get3A_1 = vector.load %arg3[%get3A, %get3A_0] : memref<2000x1xf32, #tpu.memory_space<vmem>>, vector<2000x1xf32>
    %get3A_2 = arith.constant 0 : index
    %get3A_3 = arith.constant 0 : index
    %get3A_4 = vector.load %arg1[%get3A_2, %get3A_3] : memref<2000x64xf32, #tpu.memory_space<vmem>>, vector<2000x64xf32>
    %mul3A = vector.broadcast %get3A_1 : vector<2000x1xf32> to vector<2000x64xf32>
    %mul3A_5 = arith.mulf %get3A_4, %mul3A : vector<2000x64xf32>
    %get3A_6 = arith.constant 0 : index
    %get3A_7 = arith.constant 0 : index
    %get3A_8 = vector.load %arg6[%get3A_6, %get3A_7] : memref<1x128xf32, #tpu.memory_space<vmem>>, vector<1x64xf32>
    %add3A = vector.broadcast %get3A_8 : vector<1x64xf32> to vector<2000x64xf32>
    %add3A_9 = arith.addf %mul3A_5, %add3A : vector<2000x64xf32>
    %get3A_10 = arith.constant 0 : index
    %get3A_11 = arith.constant 0 : index
    %get3A_12 = vector.load %arg2[%get3A_10, %get3A_11] : memref<2000x64xf32, #tpu.memory_space<vmem>>, vector<2000x64xf32>
    %mul3A_13 = vector.broadcast %get3A_1 : vector<2000x1xf32> to vector<2000x64xf32>
    %mul3A_14 = arith.mulf %get3A_12, %mul3A_13 : vector<2000x64xf32>
    %get3A_15 = arith.constant 0 : index
    %get3A_16 = arith.constant 64 : index
    %get3A_17 = vector.load %arg6[%get3A_15, %get3A_16] : memref<1x128xf32, #tpu.memory_space<vmem>>, vector<1x64xf32>
    %add3A_18 = vector.broadcast %get3A_17 : vector<1x64xf32> to vector<2000x64xf32>
    %add3A_19 = arith.addf %mul3A_14, %add3A_18 : vector<2000x64xf32>
    %get3A_20 = arith.constant 0 : index
    %get3A_21 = arith.constant 0 : index
    %get3A_22 = vector.load %arg4[%get3A_20, %get3A_21] : memref<64x16xf32, #tpu.memory_space<vmem>>, vector<64x16xf32>
    %dot_general3A = arith.constant dense<0.000000e+00> : vector<2000x16xf32>
    %dot_general3A_23 = tpu.matmul %add3A_9, %get3A_22, %dot_general3A {dimension_numbers = #tpu.dot_dimension_numbers<[1], [0], [0], [1], [0, 0, 1, 1], [], []>, transpose_lhs_hint = false} : vector<2000x64xf32>, vector<64x16xf32>, vector<2000x16xf32> -> vector<2000x16xf32>
    %get3A_24 = arith.constant 0 : index
    %get3A_25 = arith.constant 0 : index
    %get3A_26 = vector.load %arg5[%get3A_24, %get3A_25] : memref<64x16xf32, #tpu.memory_space<vmem>>, vector<64x16xf32>
    %dot_general3A_27 = arith.constant dense<0.000000e+00> : vector<2000x16xf32>
    %dot_general3A_28 = tpu.matmul %add3A_19, %get3A_26, %dot_general3A_27 {dimension_numbers = #tpu.dot_dimension_numbers<[1], [0], [0], [1], [0, 0, 1, 1], [], []>, transpose_lhs_hint = false} : vector<2000x64xf32>, vector<64x16xf32>, vector<2000x16xf32> -> vector<2000x16xf32>
    %add3A_29 = arith.addf %dot_general3A_23, %dot_general3A_28 : vector<2000x16xf32>
    %mul3A_30 = vector.broadcast %get3A_1 : vector<2000x1xf32> to vector<2000x16xf32>
    %mul3A_31 = arith.mulf %add3A_29, %mul3A_30 : vector<2000x16xf32>
    %swap3A = arith.constant 0 : index
    %swap3A_32 = arith.constant 0 : index
    %swap3A_33 = vector.load %arg7[%swap3A, %swap3A_32] : memref<2000x16xf32, #tpu.memory_space<vmem>>, vector<2000x16xf32>
    tpu.vector_store %arg7[%swap3A, %swap3A_32], %mul3A_31 {strides = array<i32>} : memref<2000x16xf32, #tpu.memory_space<vmem>>, vector<2000x16xf32>,
    return
  }
  func.func @transform_0(%arg0: i32) -> (i32, i32) {
    %c0_i32 = arith.constant 0 : i32
    %c0_i32_0 = arith.constant 0 : i32
    return %arg0, %c0_i32 : i32, i32
  }
  func.func @transform_1(%arg0: i32) -> (i32, i32) {
    %c0_i32 = arith.constant 0 : i32
    %c0_i32_0 = arith.constant 0 : i32
    return %arg0, %c0_i32 : i32, i32
  }
  func.func @transform_2(%arg0: i32) -> (i32, i32) {
    %c0_i32 = arith.constant 0 : i32
    %c0_i32_0 = arith.constant 0 : i32
    return %arg0, %c0_i32 : i32, i32
  }
  func.func @transform_3(%arg0: i32) -> (i32, i32) {
    %c0_i32 = arith.constant 0 : i32
    %c0_i32_0 = arith.constant 0 : i32
    %c0_i32_1 = arith.constant 0 : i32
    return %c0_i32, %c0_i32_0 : i32, i32
  }
  func.func @transform_4(%arg0: i32) -> (i32, i32) {
    %c1_i32 = arith.constant 1 : i32
    %c0_i32 = arith.constant 0 : i32
    %c0_i32_0 = arith.constant 0 : i32
    return %c1_i32, %c0_i32 : i32, i32
  }
  func.func @transform_5(%arg0: i32) -> (i32, i32) {
    %c0_i32 = arith.constant 0 : i32
    %c0_i32_0 = arith.constant 0 : i32
    %c0_i32_1 = arith.constant 0 : i32
    return %c0_i32, %c0_i32_0 : i32, i32
  }
  func.func @transform_6(%arg0: i32) -> (i32, i32) {
    %c0_i32 = arith.constant 0 : i32
    %c0_i32_0 = arith.constant 0 : i32
    return %arg0, %c0_i32 : i32, i32
  }
}

module attributes {stable_mosaic.version = 14 : i64} {
  func.func @_final_body(%arg0: i32, %arg1: memref<2000x16xf32, #tpu.memory_space<vmem>>, %arg2: memref<2000x16xf32, #tpu.memory_space<vmem>>, %arg3: memref<2000x1xf32, #tpu.memory_space<vmem>>, %arg4: memref<1x16xf32, #tpu.memory_space<vmem>>, %arg5: memref<2000x16xf32, #tpu.memory_space<vmem>>) attributes {dimension_semantics = [#tpu.dimension_semantics<arbitrary>], iteration_bounds = array<i64: 5>, scalar_prefetch = 0 : i64, scratch_operands = 0 : i64, tpu.core_type = #tpu.core_type<tc>, window_params = [{transform_indices = @transform_0, window_bounds = array<i64: 2000, 16>}, {transform_indices = @transform_1, window_bounds = array<i64: 2000, 16>}, {transform_indices = @transform_2, window_bounds = array<i64: 2000, 1>}, {pipeline_mode = #tpu.pipeline_mode<synchronous>, transform_indices = @transform_3, window_bounds = array<i64: 1, 16>}, {transform_indices = @transform_4, window_bounds = array<i64: 2000, 16>}]} {
    %get3A = arith.constant 0 : index
    %get3A_0 = arith.constant 0 : index
    %get3A_1 = vector.load %arg1[%get3A, %get3A_0] : memref<2000x16xf32, #tpu.memory_space<vmem>>, vector<2000x16xf32>
    %get3A_2 = arith.constant 0 : index
    %get3A_3 = arith.constant 0 : index
    %get3A_4 = vector.load %arg2[%get3A_2, %get3A_3] : memref<2000x16xf32, #tpu.memory_space<vmem>>, vector<2000x16xf32>
    %add3A = arith.addf %get3A_1, %get3A_4 : vector<2000x16xf32>
    %get3A_5 = arith.constant 0 : index
    %get3A_6 = arith.constant 0 : index
    %get3A_7 = vector.load %arg3[%get3A_5, %get3A_6] : memref<2000x1xf32, #tpu.memory_space<vmem>>, vector<2000x1xf32>
    %mul3A = vector.broadcast %get3A_7 : vector<2000x1xf32> to vector<2000x16xf32>
    %mul3A_8 = arith.mulf %add3A, %mul3A : vector<2000x16xf32>
    %get3A_9 = arith.constant 0 : index
    %get3A_10 = arith.constant 0 : index
    %get3A_11 = vector.load %arg4[%get3A_9, %get3A_10] : memref<1x16xf32, #tpu.memory_space<vmem>>, vector<1x16xf32>
    %add3A_12 = vector.broadcast %get3A_11 : vector<1x16xf32> to vector<2000x16xf32>
    %add3A_13 = arith.addf %mul3A_8, %add3A_12 : vector<2000x16xf32>
    %swap3A = arith.constant 0 : index
    %swap3A_14 = arith.constant 0 : index
    %swap3A_15 = vector.load %arg5[%swap3A, %swap3A_14] : memref<2000x16xf32, #tpu.memory_space<vmem>>, vector<2000x16xf32>
    tpu.vector_store %arg5[%swap3A, %swap3A_14], %add3A_13 {strides = array<i32>} : memref<2000x16xf32, #tpu.memory_space<vmem>>, vector<2000x16xf32>,
    return
  }
  func.func @transform_0(%arg0: i32) -> (i32, i32) {
    %c0_i32 = arith.constant 0 : i32
    %c0_i32_0 = arith.constant 0 : i32
    return %arg0, %c0_i32 : i32, i32
  }
  func.func @transform_1(%arg0: i32) -> (i32, i32) {
    %c0_i32 = arith.constant 0 : i32
    %c0_i32_0 = arith.constant 0 : i32
    return %arg0, %c0_i32 : i32, i32
  }
  func.func @transform_2(%arg0: i32) -> (i32, i32) {
    %c0_i32 = arith.constant 0 : i32
    %c0_i32_0 = arith.constant 0 : i32
    return %arg0, %c0_i32 : i32, i32
  }
  func.func @transform_3(%arg0: i32) -> (i32, i32) {
    %c0_i32 = arith.constant 0 : i32
    %c0_i32_0 = arith.constant 0 : i32
    %c0_i32_1 = arith.constant 0 : i32
    return %c0_i32, %c0_i32_0 : i32, i32
  }
  func.func @transform_4(%arg0: i32) -> (i32, i32) {
    %c0_i32 = arith.constant 0 : i32
    %c0_i32_0 = arith.constant 0 : i32
    return %arg0, %c0_i32 : i32, i32
  }
}

</mosaic_0001>

<sc_bundles>
// kernel: kernel.11.cloned.1.call-start
scs
__scs_entry_jumppad:
0x0: {  	(pc) =	sbr.rel $0x88, $3  }
0x1: {  	(tag) =	ssettag $0x0;
	lr =	simm.s32 $0x1  }
0x2: {  	[smem:$0x3F9B] =	sst lr;
	_ =	strace $0xD0000000  }
0x3: {  	_ = 	snop  }
0x4: {  	_ = 	snop  }
0x5: {  	_ = 	snop  }
0x6: {  	_ = 	snop  }
0x7: {  	_ = 	snop  }
__scs_overlays_trampoline_lowered:
0x8: {  	[smem:$0x3FAA] =	sst s0  }
0x9: {  	[smem:$0x3FAB] =	sst s1  }
0xa: {  	[smem:$0x3FAC] =	sst s2  }
0xb: {  	[smem:$0x3FAD] =	sst s3  }
0xc: {  	[smem:$0x3FAE] =	sst s4  }
0xd: {  	[smem:$0x3FAF] =	sst s5  }
0xe: {  	[smem:$0x3FB0] =	sst s6  }
0xf: {  	[smem:$0x3FB1] =	sst s7  }
0x10: {  	[smem:$0x3FB2] =	sst s8  }
0x11: {  	[smem:$0x3FB3] =	sst s9;
	s0 =	simm.s32 @!p0 $0x0  }
0x12: {  	s1 =	sld [smem:$0x3F99];
	s0 =	simm.s32 @p0 $0x1  }
0x13: {  	[smem:$0x3FB4] =	sst s0;
	s0 =	simm.s32 @!p1 $0x0  }
0x14: {  	s2 =	sld [smem:$0x3F98];
	s0 =	simm.s32 @p1 $0x1  }
0x15: {  	[smem:$0x3FB5] =	sst s0;
	s0 =	simm.s32 @!p2 $0x0  }
0x16: {  	s3 =	sld [smem:$0x3FDB];
	s0 =	simm.s32 @p2 $0x1  }
0x17: {  	s4 =	simm.s32 $0x1BF5;
	[smem:$0x3FB7] =	sst s0  }
0x18: {  	s0 =	sld [smem:$0x3F9A];
	_ =	swait.ge [sflag:s4], $0x0  }
0x19: {  	s7 =	sld [smem:$0x3F9B]  }
0x1a: {  	s8 =	sadd.s32 $0xFFFFE003, lr  }
0x1b: {  	s9 =	sadd.s32 $0xFFFFFEF7, lr;
	s5 =	simm.s32 $0xFFFFFFFF;
	p2 =	slt.u32 s8, $0xFFFFF086  }
0x1c: {  	p1 =	slt.u32 s9, $0xF7A;
	s5 =	simm.s32 @!p2 $0x0  }
0x1d: {  	s5 =	simm.s32 @p1 $0x1;
	p0 =	seq.s32 s7, s2  }
0x1e: {  	s7 =	smul.u32 @!p0 $0xF7A, s2;
	p2 =	seq.s32 @!p0 s5, $0x0  }
0x1f: {  	s9 =	smul.u32 $0xF7A, s1;
	s8 =	simm.s32 @!p0 $0x1BF5;
	p2 =	por !p2, p0  }
0x20: {  	[sflag:s8] =	ssyncset.s32 @!p0 $0xFFFFF086;
	s6 =	sadd.s32 @!p0 s3, s7;
	s7 =	simm.s32 @!p0 $0x108  }
0x21: {  	s3 =	sadd.s32 s3, s9;
	s6 =	sadd.s32 @!p0 $0x88, s6;
	s7 =	simm.s32 @p2 $0x1082  }
0x22: {  	[simem:s7], [sflag:s8] =	dma.local @!p0 [hbm:s6], $0xF7A  }
0x23: {  	s9 =	sor.u32 $0xD0000000, s2;
	s6 =	simm.s32 $0x108;
	_ =	swait.ge @!p0 [sflag:s8], $0x0  }
0x24: {  	s3 =	sadd.s32 $0x88, s3;
	s6 =	simm.s32 @!p1 $0x1082;
	[sflag:s4] =	ssyncset.s32 $0xFFFFF086  }
0x25: {  	[simem:s6], [sflag:s4] =	dma.local [hbm:s3], $0xF7A  }
0x26: {  	[smem:$0x3F9B] =	sst s1;
	(tag) =	ssettag s2;
	_ =	strace s9  }
0x27: {  	s1 =	sld [smem:$0x3FAB]  }
0x28: {  	s2 =	sld [smem:$0x3FAC]  }
0x29: {  	s4 =	sld [smem:$0x3FAE]  }
0x2a: {  	p0 =	seq.s32 s5, $0x0;
	s5 =	sld [smem:$0x3FAF]  }
0x2b: {  	s6 =	sld [smem:$0x3FB0]  }
0x2c: {  	s7 =	sld [smem:$0x3FB1]  }
0x2d: {  	s3 =	simm.s32 $0x108;
	s8 =	sld [smem:$0x3FB2]  }
0x2e: {  	s3 =	simm.s32 @!p0 $0x1082;
	s9 =	sld [smem:$0x3FB3]  }
0x2f: {  	lr =	sadd.s32 s0, s3;
	s0 =	sld [smem:$0x3FAA]  }
0x30: {  	s3 =	sld [smem:$0x3FAD]  }
0x31: {  	[smem:$0x3FB6] =	sst s10  }
0x32: {  	s10 =	sld [smem:$0x3FB4];
	_ =	sdelay $0x3  }
0x33: {  	p0 =	seq.s32 s10, $0x1;
	s10 =	sld [smem:$0x3FB6];
	_ =	sdelay $0x3  }
0x34: {  	[smem:$0x3FB6] =	sst s10  }
0x35: {  	s10 =	sld [smem:$0x3FB5];
	_ =	sdelay $0x3  }
0x36: {  	p1 =	seq.s32 s10, $0x1;
	s10 =	sld [smem:$0x3FB6];
	_ =	sdelay $0x3  }
0x37: {  	[smem:$0x3FB6] =	sst s10  }
0x38: {  	s10 =	sld [smem:$0x3FB7]  }
0x39: {  	_ = 	snop;
	(pc) =	sbr.ind lr, $3  }
0x3a: {  	_ = 	snop  }
0x3b: {  	_ = 	snop  }
0x3c: {  	p2 =	seq.s32 s10, $0x1;
	s10 =	sld [smem:$0x3FB6]  }
0x3d: {  	_ =	shalt  }
0x3e: {  	_ =	shalt  }
0x3f: {  	_ =	shalt  }
0x40: {  	_ =	shalt  }
0x41: {  	_ =	shalt  }
0x42: {  	_ =	shalt  }
0x43: {  	_ =	shalt  }
0x44: {  	_ =	shalt  }
0x45: {  	_ =	shalt  }
0x46: {  	_ =	shalt  }
0x47: {  	_ =	shalt  }
0x48: {  	_ =	shalt  }
0x49: {  	_ =	shalt  }
0x4a: {  	_ =	shalt  }
0x4b: {  	_ =	shalt  }
0x4c: {  	_ =	shalt  }
0x4d: {  	_ =	shalt  }
0x4e: {  	_ =	shalt  }
0x4f: {  	_ =	shalt  }
0x50: {  	_ =	shalt  }
0x51: {  	_ =	shalt  }
0x52: {  	_ =	shalt  }
0x53: {  	_ =	shalt  }
0x54: {  	_ =	shalt  }
0x55: {  	_ =	shalt  }
0x56: {  	_ =	shalt  }
0x57: {  	_ =	shalt  }
0x58: {  	_ =	shalt  }
0x59: {  	_ =	shalt  }
0x5a: {  	_ =	shalt  }
0x5b: {  	_ =	shalt  }
0x5c: {  	_ =	shalt  }
0x5d: {  	_ =	shalt  }
0x5e: {  	_ =	shalt  }
0x5f: {  	_ =	shalt  }
0x60: {  	_ =	shalt  }
0x61: {  	_ =	shalt  }
0x62: {  	_ =	shalt  }
0x63: {  	_ =	shalt  }
0x64: {  	_ =	shalt  }
0x65: {  	_ =	shalt  }
0x66: {  	_ =	shalt  }
0x67: {  	_ =	shalt  }
0x68: {  	_ =	shalt  }
0x69: {  	_ =	shalt  }
0x6a: {  	_ =	shalt  }
0x6b: {  	_ =	shalt  }
0x6c: {  	_ =	shalt  }
0x6d: {  	_ =	shalt  }
0x6e: {  	_ =	shalt  }
0x6f: {  	_ =	shalt  }
0x70: {  	_ =	shalt  }
0x71: {  	_ =	shalt  }
0x72: {  	_ =	shalt  }
0x73: {  	_ =	shalt  }
0x74: {  	_ =	shalt  }
0x75: {  	_ =	shalt  }
0x76: {  	_ =	shalt  }
0x77: {  	_ =	shalt  }
0x78: {  	_ =	shalt  }
0x79: {  	_ =	shalt  }
0x7a: {  	_ =	shalt  }
0x7b: {  	_ =	shalt  }
0x7c: {  	_ =	shalt  }
0x7d: {  	_ =	shalt  }
0x7e: {  	_ =	shalt  }
0x7f: {  	_ =	shalt  }
0x80: {  	_ =	shalt  }
0x81: {  	_ =	shalt  }
0x82: {  	_ =	shalt  }
0x83: {  	_ =	shalt  }
0x84: {  	_ =	shalt  }
0x85: {  	_ =	shalt  }
0x86: {  	_ =	shalt  }
0x87: {  	_ =	shalt  }
.Lfunc_end0:
.L_simem_size_0:
called_computation.1_lowered:
.L_overlay_start_0:
0x88: {  	s2 =	sld [smem:$0x3FD9]  }
0x89: {  	s3 =	sld [smem:$0x3FFE];
	_ =	sdelay $0x1  }
0x8a: {  	s1 =	srdreg.scid  }
0x8b: {  	s0 =	sand.u32 $0x1, s1  }
0x8c: {  	s16 =	sshll.u32 s0, $0xA;
	s2 =	sadd.s32 s3, s2  }
0x8d: {  	s2 =	sadd.s32 s2, s16  }
0x8e: {  	[smem:$0x3FC2] =	sst s2  }
0x8f: {  	_ = 	snop  }
0x90: {  	(tm) =	ssettm $0x1  }
0x91: {  	s17 =	sld [smem:$0x3FFB];
	_ =	sdelay $0x3  }
0x92: {  	_ =	strace s17  }
0x93: {  	s2 =	sld [smem:$0x3FFC];
	_ =	sdelay $0x3  }
0x94: {  	_ =	strace s2  }
0x95: {  	s2 =	sld [smem:$0x3FFD];
	_ =	sdelay $0x3  }
0x96: {  	_ =	strace s2  }
0x97: {  	_ =	strace $0x8FFFFFFF  }
0x98: {  	s18 =	sld [smem:$0x3FDB];
	_ =	sdelay $0x1  }
0x99: {  	s19 =	simm.s32 $_scs_section_size  }
0x9a: {  	s4 =	simm.s32 $_size__tile_overlayer_lowered;
	s5 =	simm.s32 $_tile_overlayer_lowered  }
0x9b: {  	s22 =	simm.s32 $0x1BFF;
	s21 =	sshll.u32 s5, $0x1;
	s2 =	sadd.s32 s19, s18  }
0x9c: {  	s6 =	simm.s32 $0x0;
	s20 =	sshll.u32 s4, $0x1;
	s4 =	sadd.s32 s21, s2  }
0x9d: {  	[timem:s6], [sflag:s22] =	dma.local [hbm:s4], s20  }
0x9e: {  	_ =	swait.ge [sflag:s22], s20  }
0x9f: {  	s3 =	ssub.s32 $0x0, s20;
	[sflag:s22] =	ssyncset.done $0x0  }
0xa0: {  	[sflag:s22] =	ssyncadd.s32 s3;
	_ =	sdelay $0x1  }
0xa1: {  	s23 =	simm.s32 $0x1B8B  }
0xa2: {  	_ =	swait.ge [sflag:s23], $0x1  }
0xa3: {  	[sflag:s23] =	ssyncset.done $0x0  }
0xa4: {  	s25 =	simm.s32 $0x1B8E;
	s24 =	sld [smem:$0x3FFE];
	[sflag:s23] =	ssyncadd.s32 $0xFFFFFFFF  }
0xa5: {  	s26 =	simm.s32 $execute0_lowered;
	[smem:$0x3FD2] =	sst s25  }
0xa6: {  	s4 =	sshll.u32 s26, $0x1;
	_ =	strace $0x80000049;
	[dreg:$0x1] =	wrdreg $0xFFFFFFFF  }
0xa7: {  	s28 =	simm.s32 $_size_execute0_lowered;
	s2 =	sadd.s32 s2, s4;
	[dreg:$0x0] =	wrdreg $0x0  }
0xa8: {  	s4 =	sshll.u32 s28, $0x1;
	[dreg:$0x2] =	wrdreg s2  }
0xa9: {  	[dreg:$0x3] =	wrdreg s4  }
0xaa: {  	[dreg:$0x4] =	wrdreg $0xC0  }
0xab: {  	_ =	task [dreg:s6], $0x5FFFF  }
0xac: {  	[dreg:$0x1] =	wrdreg $0xFFFFFFFF  }
0xad: {  	[dreg:$0x0] =	wrdreg $0x60  }
0xae: {  	[dreg:$0x2] =	wrdreg s24  }
0xaf: {  	[dreg:$0x3] =	wrdreg $0x8F000  }
0xb0: {  	[dreg:$0x4] =	wrdreg $0x12F000  }
0xb1: {  	[dreg:$0x5] =	wrdreg $0x9  }
0xb2: {  	_ =	task.clear_ibuf [dreg:s6], $0x6FFFF;
	_ =	strace $0x90000049  }
0xb3: {  	s29 =	simm.s32 $0x9;
	_ =	strace $0x8000004B  }
0xb4: {  	_ =	swait.ge [sflag:s29], $0x1  }
0xb5: {  	[sflag:s29] =	ssyncadd.s32 $0xFFFFFFFF  }
0xb6: {  	_ =	strace $0x9000004B  }
0xb7: {  	_ =	sfence  }
0xb8: {  	s30 =	sld [smem:$0x0];
	_ =	sdelay $0x2  }
0xb9: {  	s31 =	sshll.u32 s1, $0xD;
	s1 =	sshrl.u32 s1, $0x2  }
0xba: {  	s3 =	sand.u32 $0x4000, s31;
	s1 =	sadd.s32 s1, s30  }
0xbb: {  	s0 =	sor.u32 s3, s0;
	s1 =	sshll.u32 s1, $0x11  }
0xbc: {  	s0 =	sor.u32 s1, s0  }
0xbd: {  	s0 =	sadd.s32 $0x8F2B, s0  }
0xbe: {  	[sflag:s0] =	ssyncadd.remote.s32 $0x1  }
0xbf: {  	_ =	sfence.sel $0xFFFF  }
0xc0: {  	[dreg:$0x0] =	wrdreg $0xFFFFFFFF;
	(pc) =	sbr.abs _section_cstart, $3  }
0xc1: {  	[dreg:$0x1] =	wrdreg $0xFFFFFFFF  }
0xc2: {  	_ =	task.clear_ibuf [dreg:s6], $0x2FFFF;
	_ =	strace $0x9FFFFFFF  }
0xc3: {  	(tm) =	ssettm $0x7FFFFFFF  }
tec
execute0_lowered:
.L_overlay_start_1:
0x0: {  	(tag) =	ssettag $0x1  }
0x1: {  	s5 =	rddreg [dreg:$0x0]  }
0x2: {  	s2 =	rddreg [dreg:$0x1]  }
0x3: {  	s3 =	rddreg [dreg:$0x2];
	s0 =	stileid.u32;
	s4 =	simm.s32 $0x0  }
0x4: {  	s30 =	srdreg.scid;
	s20 =	simm.s32 $0x4F00;
	s21 =	simm.s32 $0x6F00  }
0x5: {  	s22 =	simm.s32 $0x1;
	s23 =	simm.s32 $0x2;
	s24 =	simm.s32 $0x2680  }
0x6: {  	s25 =	simm.s32 $0x4D00;
	s26 =	simm.s32 $0x4D80;
	s28 =	simm.s32 $0x0  }
0x7: {  	s6 =	smul.u32 $0x9C, s0;
	[smem:$0x7FF] =	sst s4;
	s7 =	smin.u32 s0, $0x4  }
0x8: {  	s12 =	sadd.s32 $0x2AA00, s5;
	s13 =	sadd.s32 $0x16A00, s5;
	s14 =	sadd.s32 $0x52A00, s5  }
0x9: {  	s9 =	smul.u32 $0xA000, s0;
	s15 =	sadd.s32 $0x3EA00, s5;
	s19 =	sshll.u32 s0, $0x6  }
0xa: {  	_ =	strace $0x8000004A;
	s6 =	sadd.s32 s7, s6;
	s7 =	sand.u32 $0x1, s30  }
0xb: {  	s16 =	sadd.s32 s9, s2;
	s17 =	sshrl.u32 s9, $0x3;
	s18 =	sadd.s32 s9, s3  }
0xc: {  	s6 =	sshll.u32 s6, $0x4;
	s31 =	ssub.s32 $0x2, s7;
	p0 =	seq.s32 s7, $0x0  }
0xd: {  	s10 =	sadd.s32 s6, s5;
	s8 =	sshrl.u32 s31, $0x1;
	s13 =	smov.u32 @p0 s12  }
0xe: {  	s15 =	smov.u32 @p0 s14;
	p0 =	sgt.u32 s0, $0x3;
	s11 =	ssub.s32 s31, s8  }
0xf: {  	s5 =	sadd.s32 $0x3000, s10;
	s6 =	sadd.s32 $0xCC40, s10;
	s7 =	sadd.s32 $0x34E0, s10  }
0x10: {  	s8 =	sadd.s32 $0xD120, s10;
	s9 =	sadd.s32 $0x39C0, s10;
	s10 =	sadd.s32 $0xD600, s10  }
0x11: {  	s12 =	sadd.s32 s13, s17;
	s13 =	sor.u32 $0x1C03, s19;
	s14 =	sadd.s32 s15, s17  }
0x12: {  	s15 =	sshrl.u32 s16, $0x3;
	s16 =	simm.s32 $0x3;
	s17 =	sshrl.u32 s18, $0x3  }
0x13: {  	s18 =	simm.s32 $0x2700;
	s19 =	simm.s32 $0x80;
	s11 =	smax.u32 s11, $0x1  }
.LBB2_1:
0x14: {  	[spmem:s15], [sflag:s13] =	dma.local [hbm:s12], $0x1400  }
0x15: {  	_ =	swait.ge [sflag:s16], $0x1400  }
0x16: {  	[sflag:s16] =	ssyncset.done $0x0  }
0x17: {  	[sflag:s16] =	ssyncadd.s32 $0xFFFFEC00  }
0x18: {  	[spmem:s17], [sflag:s13] =	dma.local [hbm:s12], $0x1400  }
0x19: {  	_ =	swait.ge [sflag:s16], $0x1400  }
0x1a: {  	[sflag:s16] =	ssyncset.done $0x0  }
0x1b: {  	[sflag:s16] =	ssyncadd.s32 $0xFFFFEC00  }
0x1c: {  	[bflag:$0x0] =	sbarrier.arrive $0xFFFF  }
0x1d: {  	[tilespmem:s4], [sflag:$0x3] =	stream.linear.gather [hbm4b:s5+s4], $0x2700, $0x38;
	[tilespmem:$0x1CF00] =	vst v63  }
0x1e: {  	_ =	swait.ge [sflag:s16], $0x2700  }
0x1f: {  	[sflag:s16] =	ssyncset.done $0x0  }
0x20: {  	[sflag:s16] =	ssyncadd.s32 $0xFFFFD900  }
0x21: {  	[tilespmem:s18], [sflag:$0x3] =	stream.linear.gather [hbm4b:s6+s4], $0x2700, $0x38;
	[tilespmem:$0x1CF00] =	vst v63  }
0x22: {  	_ =	swait.ge [sflag:s16], $0x2700  }
0x23: {  	[sflag:s16] =	ssyncset.done $0x0  }
0x24: {  	[sflag:s16] =	ssyncadd.s32 $0xFFFFD900  }
0x25: {  	[tilespmem:s20], [sflag:$0x1] =	stream.indirect.gather [spmem:s2], $0x40, s4, s19, $0xb8;
	[tilespmem:$0x1CF00] =	vst v63  }
0x26: {  	s29 =	simm.s32 $0x80  }
0x27: {  	[tilespmem:s21], [sflag:$0x2] =	stream.indirect.gather [spmem:s2], $0x40, s29, s19, $0xb8;
	[tilespmem:$0x1CF00] =	vst v63  }
0x28: {  	_ =	swait.ge [sflag:s22], $0x2000  }
0x29: {  	[sflag:s22] =	ssyncset.done $0x0  }
0x2a: {  	s29 =	simm.s32 $0x2700;
	[sflag:s22] =	ssyncadd.s32 $0xFFFFE000  }
0x2b: {  	[spmem:s3] =	stream.indirect.scatter.add.f32 [tilespmem:s20], [sflag:$0x3], $0x40, s29, s19, $0xb8;
	[tilespmem:$0x1CF00] =	vst v63  }
0x2c: {  	_ =	swait.ge [sflag:s16], $0x2000  }
0x2d: {  	[sflag:s16] =	ssyncset.done $0x0  }
0x2e: {  	s29 =	simm.s32 $0x100;
	[sflag:s16] =	ssyncadd.s32 $0xFFFFE000  }
0x2f: {  	[tilespmem:s20], [sflag:$0x1] =	stream.indirect.gather [spmem:s2], $0x40, s29, s19, $0xb8;
	[tilespmem:$0x1CF00] =	vst v63  }
0x30: {  	_ =	swait.ge [sflag:s23], $0x2000  }
0x31: {  	[sflag:s23] =	ssyncset.done $0x0  }
0x32: {  	s29 =	simm.s32 $0x2780;
	[sflag:s23] =	ssyncadd.s32 $0xFFFFE000  }
0x33: {  	[spmem:s3] =	stream.indirect.scatter.add.f32 [tilespmem:s21], [sflag:$0x3], $0x40, s29, s19, $0xb8;
	[tilespmem:$0x1CF00] =	vst v63  }
0x34: {  	_ =	swait.ge [sflag:s16], $0x2000  }
0x35: {  	s30 =	simm.s32 $0x800;
	s29 =	simm.s32 $0x100;
	[sflag:s16] =	ssyncset.done $0x0  }
.LBB2_2:
0x36: {  	s31 =	sadd.s32 $0x80, s29  }
0x37: {  	[sflag:s16] =	ssyncadd.s32 $0xFFFFE000;
	s0 =	smov.u32 s30;
	s1 =	sadd.s32 $0x400, s30  }
0x38: {  	[tilespmem:s21], [sflag:$0x2] =	stream.indirect.gather [spmem:s2], $0x40, s31, s19, $0xb8;
	[tilespmem:$0x1CF00] =	vst v63  }
0x39: {  	p1 =	sne.s32 s30, $0x9400;
	_ =	swait.ge [sflag:s22], $0x2000  }
0x3a: {  	[sflag:s22] =	ssyncset.done $0x0  }
0x3b: {  	s30 =	sadd.s32 $0x2700, s29;
	[sflag:s22] =	ssyncadd.s32 $0xFFFFE000  }
0x3c: {  	[spmem:s3] =	stream.indirect.scatter.add.f32 [tilespmem:s20], [sflag:$0x3], $0x40, s30, s19, $0xb8;
	[tilespmem:$0x1CF00] =	vst v63  }
0x3d: {  	_ =	swait.ge [sflag:s16], $0x2000  }
0x3e: {  	[sflag:s16] =	ssyncset.done $0x0  }
0x3f: {  	s30 =	sadd.s32 $0x100, s29;
	[sflag:s16] =	ssyncadd.s32 $0xFFFFE000  }
0x40: {  	[tilespmem:s20], [sflag:$0x1] =	stream.indirect.gather [spmem:s2], $0x40, s30, s19, $0xb8;
	[tilespmem:$0x1CF00] =	vst v63  }
0x41: {  	_ =	swait.ge [sflag:s23], $0x2000  }
.Ltmp0:
0x42: {  	[sflag:s23] =	ssyncset.done $0x0;
	(pc) =	sbr.rel @p1 .LBB2_2-.Ltmp0, $4  }
0x43: {  	s29 =	sadd.s32 $0x2780, s29;
	[sflag:s23] =	ssyncadd.s32 $0xFFFFE000  }
0x44: {  	[spmem:s3] =	stream.indirect.scatter.add.f32 [tilespmem:s21], [sflag:$0x3], $0x40, s29, s19, $0xb8;
	[tilespmem:$0x1CF00] =	vst v63  }
0x45: {  	_ =	swait.ge [sflag:s16], $0x2000  }
0x46: {  	s30 =	smov.u32 s1;
	s29 =	sshra.s32 s0, $0x2;
	[sflag:s16] =	ssyncset.done $0x0  }
0x47: {  	s0 =	sadd.s32 $0x80, s29;
	[sflag:s16] =	ssyncadd.s32 $0xFFFFE000  }
0x48: {  	[tilespmem:s21], [sflag:$0x2] =	stream.indirect.gather [spmem:s2], $0x40, s0, s19, $0xb8;
	[tilespmem:$0x1CF00] =	vst v63  }
0x49: {  	_ =	swait.ge [sflag:s22], $0x2000  }
0x4a: {  	[sflag:s22] =	ssyncset.done $0x0  }
0x4b: {  	s1 =	sadd.s32 $0x2700, s29;
	[sflag:s22] =	ssyncadd.s32 $0xFFFFE000  }
0x4c: {  	[spmem:s3] =	stream.indirect.scatter.add.f32 [tilespmem:s20], [sflag:$0x3], $0x40, s1, s19, $0xb8;
	[tilespmem:$0x1CF00] =	vst v63  }
0x4d: {  	_ =	swait.ge [sflag:s16], $0x2000  }
0x4e: {  	[sflag:s16] =	ssyncset.done $0x0  }
0x4f: {  	s31 =	sadd.s32 $0x100, s29;
	[sflag:s16] =	ssyncadd.s32 $0xFFFFE000  }
0x50: {  	[tilespmem:s20], [sflag:$0x1] =	stream.indirect.gather [spmem:s2], $0x40, s31, s19, $0xb8;
	[tilespmem:$0x1CF00] =	vst v63  }
0x51: {  	_ =	swait.ge [sflag:s23], $0x2000  }
0x52: {  	[sflag:s23] =	ssyncset.done $0x0  }
0x53: {  	s1 =	sadd.s32 $0x2780, s29;
	[sflag:s23] =	ssyncadd.s32 $0xFFFFE000  }
0x54: {  	[spmem:s3] =	stream.indirect.scatter.add.f32 [tilespmem:s21], [sflag:$0x3], $0x40, s1, s19, $0xb8;
	[tilespmem:$0x1CF00] =	vst v63  }
0x55: {  	_ =	swait.ge [sflag:s16], $0x2000  }
0x56: {  	[sflag:s16] =	ssyncset.done $0x0  }
0x57: {  	[sflag:s16] =	ssyncadd.s32 $0xFFFFE000  }
0x58: {  	[tilespmem:s21], [sflag:$0x2] =	stream.indirect.gather [spmem:s2], $0x40, s24, s19, $0xb8;
	[tilespmem:$0x1CF00] =	vst v63  }
0x59: {  	_ =	swait.ge [sflag:s22], $0x2000  }
0x5a: {  	[sflag:s22] =	ssyncset.done $0x0  }
0x5b: {  	[sflag:s22] =	ssyncadd.s32 $0xFFFFE000  }
0x5c: {  	[spmem:s3] =	stream.indirect.scatter.add.f32 [tilespmem:s20], [sflag:$0x3], $0x40, s25, s19, $0xb8;
	[tilespmem:$0x1CF00] =	vst v63  }
0x5d: {  	_ =	swait.ge [sflag:s16], $0x2000  }
0x5e: {  	[sflag:s16] =	ssyncset.done $0x0  }
0x5f: {  	[sflag:s16] =	ssyncadd.s32 $0xFFFFE000  }
0x60: {  	_ =	swait.ge [sflag:s23], $0x2000  }
0x61: {  	[sflag:s23] =	ssyncset.done $0x0  }
0x62: {  	[sflag:s23] =	ssyncadd.s32 $0xFFFFE000  }
0x63: {  	[spmem:s3] =	stream.indirect.scatter.add.f32 [tilespmem:s21], [sflag:$0x3], $0x40, s26, s19, $0xb8;
	[tilespmem:$0x1CF00] =	vst v63  }
0x64: {  	_ =	swait.ge [sflag:s16], $0x2000  }
0x65: {  	[sflag:s16] =	ssyncset.done $0x0  }
0x66: {  	s31 =	simm.s32 $0x0;
	[sflag:s16] =	ssyncadd.s32 $0xFFFFE000  }
0x67: {  	[tilespmem:s31], [sflag:$0x3] =	stream.linear.gather [hbm4b:s7+s31], $0x2700, $0x38;
	[tilespmem:$0x1CF00] =	vst v63  }
0x68: {  	_ =	swait.ge [sflag:s16], $0x2700  }
0x69: {  	[sflag:s16] =	ssyncset.done $0x0  }
0x6a: {  	[sflag:s16] =	ssyncadd.s32 $0xFFFFD900  }
0x6b: {  	[tilespmem:s18], [sflag:$0x3] =	stream.linear.gather [hbm4b:s8+s31], $0x2700, $0x38;
	[tilespmem:$0x1CF00] =	vst v63  }
0x6c: {  	_ =	swait.ge [sflag:s16], $0x2700  }
0x6d: {  	[sflag:s16] =	ssyncset.done $0x0  }
0x6e: {  	[sflag:s16] =	ssyncadd.s32 $0xFFFFD900  }
0x6f: {  	[tilespmem:s20], [sflag:$0x1] =	stream.indirect.gather [spmem:s2], $0x40, s31, s19, $0xb8;
	[tilespmem:$0x1CF00] =	vst v63  }
0x70: {  	s1 =	simm.s32 $0x80  }
0x71: {  	[tilespmem:s21], [sflag:$0x2] =	stream.indirect.gather [spmem:s2], $0x40, s1, s19, $0xb8;
	[tilespmem:$0x1CF00] =	vst v63  }
0x72: {  	_ =	swait.ge [sflag:s22], $0x2000  }
0x73: {  	[sflag:s22] =	ssyncset.done $0x0  }
0x74: {  	s31 =	simm.s32 $0x2700;
	[sflag:s22] =	ssyncadd.s32 $0xFFFFE000  }
0x75: {  	[spmem:s3] =	stream.indirect.scatter.add.f32 [tilespmem:s20], [sflag:$0x3], $0x40, s31, s19, $0xb8;
	[tilespmem:$0x1CF00] =	vst v63  }
0x76: {  	_ =	swait.ge [sflag:s16], $0x2000  }
0x77: {  	[sflag:s16] =	ssyncset.done $0x0  }
0x78: {  	s1 =	simm.s32 $0x100;
	[sflag:s16] =	ssyncadd.s32 $0xFFFFE000  }
0x79: {  	[tilespmem:s20], [sflag:$0x1] =	stream.indirect.gather [spmem:s2], $0x40, s1, s19, $0xb8;
	[tilespmem:$0x1CF00] =	vst v63  }
0x7a: {  	_ =	swait.ge [sflag:s23], $0x2000  }
0x7b: {  	[sflag:s23] =	ssyncset.done $0x0  }
0x7c: {  	s31 =	simm.s32 $0x2780;
	[sflag:s23] =	ssyncadd.s32 $0xFFFFE000  }
0x7d: {  	[spmem:s3] =	stream.indirect.scatter.add.f32 [tilespmem:s21], [sflag:$0x3], $0x40, s31, s19, $0xb8;
	[tilespmem:$0x1CF00] =	vst v63  }
0x7e: {  	_ =	swait.ge [sflag:s16], $0x2000  }
0x7f: {  	s30 =	simm.s32 $0x800;
	s29 =	simm.s32 $0x100;
	[sflag:s16] =	ssyncset.done $0x0  }
.LBB2_4:
0x80: {  	s0 =	sadd.s32 $0x80, s29  }
0x81: {  	[sflag:s16] =	ssyncadd.s32 $0xFFFFE000;
	s1 =	smov.u32 s30;
	s31 =	sadd.s32 $0x400, s30  }
0x82: {  	[tilespmem:s21], [sflag:$0x2] =	stream.indirect.gather [spmem:s2], $0x40, s0, s19, $0xb8;
	[tilespmem:$0x1CF00] =	vst v63  }
0x83: {  	p1 =	sne.s32 s30, $0x9400;
	_ =	swait.ge [sflag:s22], $0x2000  }
0x84: {  	[sflag:s22] =	ssyncset.done $0x0  }
0x85: {  	s0 =	sadd.s32 $0x2700, s29;
	[sflag:s22] =	ssyncadd.s32 $0xFFFFE000  }
0x86: {  	[spmem:s3] =	stream.indirect.scatter.add.f32 [tilespmem:s20], [sflag:$0x3], $0x40, s0, s19, $0xb8;
	[tilespmem:$0x1CF00] =	vst v63  }
0x87: {  	_ =	swait.ge [sflag:s16], $0x2000  }
0x88: {  	[sflag:s16] =	ssyncset.done $0x0  }
0x89: {  	s0 =	sadd.s32 $0x100, s29;
	[sflag:s16] =	ssyncadd.s32 $0xFFFFE000  }
0x8a: {  	[tilespmem:s20], [sflag:$0x1] =	stream.indirect.gather [spmem:s2], $0x40, s0, s19, $0xb8;
	[tilespmem:$0x1CF00] =	vst v63  }
0x8b: {  	_ =	swait.ge [sflag:s23], $0x2000  }
.Ltmp1:
0x8c: {  	[sflag:s23] =	ssyncset.done $0x0;
	(pc) =	sbr.rel @p1 .LBB2_4-.Ltmp1, $4  }
0x8d: {  	s0 =	sadd.s32 $0x2780, s29;
	[sflag:s23] =	ssyncadd.s32 $0xFFFFE000  }
0x8e: {  	[spmem:s3] =	stream.indirect.scatter.add.f32 [tilespmem:s21], [sflag:$0x3], $0x40, s0, s19, $0xb8;
	[tilespmem:$0x1CF00] =	vst v63  }
0x8f: {  	_ =	swait.ge [sflag:s16], $0x2000  }
0x90: {  	s30 =	smov.u32 s31;
	s29 =	sshra.s32 s1, $0x2;
	[sflag:s16] =	ssyncset.done $0x0  }
0x91: {  	s0 =	sadd.s32 $0x80, s29;
	[sflag:s16] =	ssyncadd.s32 $0xFFFFE000  }
0x92: {  	[tilespmem:s21], [sflag:$0x2] =	stream.indirect.gather [spmem:s2], $0x40, s0, s19, $0xb8;
	[tilespmem:$0x1CF00] =	vst v63  }
0x93: {  	_ =	swait.ge [sflag:s22], $0x2000  }
0x94: {  	[sflag:s22] =	ssyncset.done $0x0  }
0x95: {  	s1 =	sadd.s32 $0x2700, s29;
	[sflag:s22] =	ssyncadd.s32 $0xFFFFE000  }
0x96: {  	[spmem:s3] =	stream.indirect.scatter.add.f32 [tilespmem:s20], [sflag:$0x3], $0x40, s1, s19, $0xb8;
	[tilespmem:$0x1CF00] =	vst v63  }
0x97: {  	_ =	swait.ge [sflag:s16], $0x2000  }
0x98: {  	[sflag:s16] =	ssyncset.done $0x0  }
0x99: {  	s30 =	sadd.s32 $0x100, s29;
	[sflag:s16] =	ssyncadd.s32 $0xFFFFE000  }
0x9a: {  	[tilespmem:s20], [sflag:$0x1] =	stream.indirect.gather [spmem:s2], $0x40, s30, s19, $0xb8;
	[tilespmem:$0x1CF00] =	vst v63  }
0x9b: {  	_ =	swait.ge [sflag:s23], $0x2000  }
0x9c: {  	[sflag:s23] =	ssyncset.done $0x0  }
0x9d: {  	s31 =	sadd.s32 $0x2780, s29;
	[sflag:s23] =	ssyncadd.s32 $0xFFFFE000  }
0x9e: {  	[spmem:s3] =	stream.indirect.scatter.add.f32 [tilespmem:s21], [sflag:$0x3], $0x40, s31, s19, $0xb8;
	[tilespmem:$0x1CF00] =	vst v63  }
0x9f: {  	_ =	swait.ge [sflag:s16], $0x2000  }
0xa0: {  	[sflag:s16] =	ssyncset.done $0x0  }
0xa1: {  	[sflag:s16] =	ssyncadd.s32 $0xFFFFE000  }
0xa2: {  	[tilespmem:s21], [sflag:$0x2] =	stream.indirect.gather [spmem:s2], $0x40, s24, s19, $0xb8;
	[tilespmem:$0x1CF00] =	vst v63  }
0xa3: {  	_ =	swait.ge [sflag:s22], $0x2000  }
0xa4: {  	[sflag:s22] =	ssyncset.done $0x0  }
0xa5: {  	[sflag:s22] =	ssyncadd.s32 $0xFFFFE000  }
0xa6: {  	[spmem:s3] =	stream.indirect.scatter.add.f32 [tilespmem:s20], [sflag:$0x3], $0x40, s25, s19, $0xb8;
	[tilespmem:$0x1CF00] =	vst v63  }
0xa7: {  	_ =	swait.ge [sflag:s16], $0x2000  }
0xa8: {  	[sflag:s16] =	ssyncset.done $0x0  }
0xa9: {  	[sflag:s16] =	ssyncadd.s32 $0xFFFFE000  }
0xaa: {  	_ =	swait.ge [sflag:s23], $0x2000  }
0xab: {  	[sflag:s23] =	ssyncset.done $0x0  }
0xac: {  	[sflag:s23] =	ssyncadd.s32 $0xFFFFE000  }
0xad: {  	[spmem:s3] =	stream.indirect.scatter.add.f32 [tilespmem:s21], [sflag:$0x3], $0x40, s26, s19, $0xb8;
	[tilespmem:$0x1CF00] =	vst v63  }
0xae: {  	_ =	swait.ge [sflag:s16], $0x2000  }
0xaf: {  	s29 =	simm.s32 @!p0 $0x3;
	[sflag:s16] =	ssyncset.done $0x0  }
0xb0: {  	s0 =	simm.s32 @!p0 $0x0;
	s1 =	simm.s32 @!p0 $0x4E00;
	[sflag:s16] =	ssyncadd.s32 $0xFFFFE000  }
0xb1: {  	[tilespmem:s1], [sflag:$0x3] =	stream.linear.gather @!p0 [hbm4b:s9+s0], $0x80, $0x38;
	[tilespmem:$0x1CF00] =	vst v63  }
0xb2: {  	_ =	swait.ge @!p0 [sflag:s29], $0x80  }
0xb3: {  	[sflag:s29] =	ssyncset.done @!p0 $0x0  }
0xb4: {  	s30 =	simm.s32 @!p0 $0x4E80;
	[sflag:s29] =	ssyncadd.s32 @!p0 $0xFFFFFF80  }
0xb5: {  	[tilespmem:s30], [sflag:$0x3] =	stream.linear.gather @!p0 [hbm4b:s10+s0], $0x80, $0x38;
	[tilespmem:$0x1CF00] =	vst v63  }
0xb6: {  	_ =	swait.ge @!p0 [sflag:s29], $0x80  }
0xb7: {  	[sflag:s29] =	ssyncset.done @!p0 $0x0  }
0xb8: {  	s31 =	simm.s32 @!p0 $0x4F00;
	s0 =	simm.s32 @!p0 $0x80;
	[sflag:s29] =	ssyncadd.s32 @!p0 $0xFFFFFF80  }
0xb9: {  	[tilespmem:s31], [sflag:$0x1] =	stream.indirect.gather @!p0 [spmem:s2], $0x40, s1, s0, $0xb8;
	[tilespmem:$0x1CF00] =	vst v63  }
0xba: {  	s1 =	simm.s32 @!p0 $0x1  }
0xbb: {  	_ =	swait.ge @!p0 [sflag:s1], $0x2000  }
0xbc: {  	[sflag:s1] =	ssyncset.done @!p0 $0x0  }
0xbd: {  	[sflag:s1] =	ssyncadd.s32 @!p0 $0xFFFFE000  }
0xbe: {  	[spmem:s3] =	stream.indirect.scatter.add.f32 @!p0 [tilespmem:s31], [sflag:$0x3], $0x40, s30, s0, $0xb8;
	[tilespmem:$0x1CF00] =	vst v63  }
0xbf: {  	_ =	swait.ge @!p0 [sflag:s29], $0x2000  }
0xc0: {  	s28 =	sadd.s32 $0x1, s28;
	[sflag:s29] =	ssyncset.done @!p0 $0x0  }
0xc1: {  	p1 =	sne.s32 s28, s11;
	[sflag:s29] =	ssyncadd.s32 @!p0 $0xFFFFE000  }
.Ltmp2:
0xc2: {  	[bflag:$0x0] =	sbarrier.arrive $0xFFFF;
	(pc) =	sbr.rel @p1 .LBB2_1-.Ltmp2, $4  }
0xc3: {  	[hbm:s14], [sflag:s13] =	dma.local [spmem:s17], $0x1400  }
0xc4: {  	_ =	swait.ge [sflag:s16], $0x1400  }
0xc5: {  	[sflag:s16] =	ssyncset.done $0x0  }
0xc6: {  	[sflag:s16] =	ssyncadd.s32 $0xFFFFEC00  }
0xc7: {  	_ =	sfence.sel $0x180000  }
0xc8: {  	[bflag:$0x0] =	sbarrier.arrive $0xFFFF  }
0xc9: {  	_ =	strace $0x9000004A  }
0xca: {  	s0 =	stileid.u32;
	[bflag:$0x2] =	sbarrier.arrive $0xFFFF  }
0xcb: {  	p0 =	sne.s32 s0, $0x0;
	s0 =	rddreg [dreg:$0x3]  }
0xcc: {  	s0 =	sadd.s32 @!p0 $0x100000, s0  }
0xcd: {  	[sflag:s0] =	ssyncadd.tile.s32 @!p0 $0x1;
	_ =	shalt  }
.Lfunc_end2:
_tile_overlayer_lowered:
.L_overlay_start_2:
0xce: {  	(tag) =	ssettag $0x2  }
0xcf: {  	s0 =	rddreg [dreg:$0x0];
	s2 =	stileid.u32  }
0xd0: {  	s1 =	rddreg [dreg:$0x1];
	p0 =	sne.s32 s2, $0x0  }
0xd1: {  	s3 =	rddreg [dreg:$0x2];
	[bflag:$0x3] =	sbarrier.arrive $0xFFFF;
	s2 =	simm.s32 @!p0 $0x1C03  }
0xd2: {  	[timem:s3], [sflag:s2] =	dma.local @!p0 [hbm:s0], s1  }
0xd3: {  	s0 =	simm.s32 @!p0 $0x3  }
0xd4: {  	_ =	swait.ge @!p0 [sflag:s0], s1  }
0xd5: {  	s1 =	ssub.s32 @!p0 $0x0, s1;
	[sflag:s0] =	ssyncset.done @!p0 $0x0  }
0xd6: {  	[sflag:s0] =	ssyncadd.s32 @!p0 s1  }
0xd7: {  	[bflag:$0x3] =	sbarrier.arrive $0xFFFF  }
0xd8: {  	_ =	shalt  }

// kernel: kernel.14.cloned.1.call-start
scs
__scs_entry_jumppad:
0x0: {  	(pc) =	sbr.rel $0x88, $3  }
0x1: {  	(tag) =	ssettag $0x0;
	lr =	simm.s32 $0x1  }
0x2: {  	[smem:$0x3F9B] =	sst lr;
	_ =	strace $0xD0000000  }
0x3: {  	_ = 	snop  }
0x4: {  	_ = 	snop  }
0x5: {  	_ = 	snop  }
0x6: {  	_ = 	snop  }
0x7: {  	_ = 	snop  }
__scs_overlays_trampoline_lowered:
0x8: {  	[smem:$0x3FAA] =	sst s0  }
0x9: {  	[smem:$0x3FAB] =	sst s1  }
0xa: {  	[smem:$0x3FAC] =	sst s2  }
0xb: {  	[smem:$0x3FAD] =	sst s3  }
0xc: {  	[smem:$0x3FAE] =	sst s4  }
0xd: {  	[smem:$0x3FAF] =	sst s5  }
0xe: {  	[smem:$0x3FB0] =	sst s6  }
0xf: {  	[smem:$0x3FB1] =	sst s7  }
0x10: {  	[smem:$0x3FB2] =	sst s8  }
0x11: {  	[smem:$0x3FB3] =	sst s9;
	s0 =	simm.s32 @!p0 $0x0  }
0x12: {  	s1 =	sld [smem:$0x3F99];
	s0 =	simm.s32 @p0 $0x1  }
0x13: {  	[smem:$0x3FB4] =	sst s0;
	s0 =	simm.s32 @!p1 $0x0  }
0x14: {  	s2 =	sld [smem:$0x3F98];
	s0 =	simm.s32 @p1 $0x1  }
0x15: {  	[smem:$0x3FB5] =	sst s0;
	s0 =	simm.s32 @!p2 $0x0  }
0x16: {  	s3 =	sld [smem:$0x3FDB];
	s0 =	simm.s32 @p2 $0x1  }
0x17: {  	s4 =	simm.s32 $0x1BF5;
	[smem:$0x3FB7] =	sst s0  }
0x18: {  	s0 =	sld [smem:$0x3F9A];
	_ =	swait.ge [sflag:s4], $0x0  }
0x19: {  	s7 =	sld [smem:$0x3F9B]  }
0x1a: {  	s8 =	sadd.s32 $0xFFFFE003, lr  }
0x1b: {  	s9 =	sadd.s32 $0xFFFFFEF7, lr;
	s5 =	simm.s32 $0xFFFFFFFF;
	p2 =	slt.u32 s8, $0xFFFFF086  }
0x1c: {  	p1 =	slt.u32 s9, $0xF7A;
	s5 =	simm.s32 @!p2 $0x0  }
0x1d: {  	s5 =	simm.s32 @p1 $0x1;
	p0 =	seq.s32 s7, s2  }
0x1e: {  	s7 =	smul.u32 @!p0 $0xF7A, s2;
	p2 =	seq.s32 @!p0 s5, $0x0  }
0x1f: {  	s9 =	smul.u32 $0xF7A, s1;
	s8 =	simm.s32 @!p0 $0x1BF5;
	p2 =	por !p2, p0  }
0x20: {  	[sflag:s8] =	ssyncset.s32 @!p0 $0xFFFFF086;
	s6 =	sadd.s32 @!p0 s3, s7;
	s7 =	simm.s32 @!p0 $0x108  }
0x21: {  	s3 =	sadd.s32 s3, s9;
	s6 =	sadd.s32 @!p0 $0x88, s6;
	s7 =	simm.s32 @p2 $0x1082  }
0x22: {  	[simem:s7], [sflag:s8] =	dma.local @!p0 [hbm:s6], $0xF7A  }
0x23: {  	s9 =	sor.u32 $0xD0000000, s2;
	s6 =	simm.s32 $0x108;
	_ =	swait.ge @!p0 [sflag:s8], $0x0  }
0x24: {  	s3 =	sadd.s32 $0x88, s3;
	s6 =	simm.s32 @!p1 $0x1082;
	[sflag:s4] =	ssyncset.s32 $0xFFFFF086  }
0x25: {  	[simem:s6], [sflag:s4] =	dma.local [hbm:s3], $0xF7A  }
0x26: {  	[smem:$0x3F9B] =	sst s1;
	(tag) =	ssettag s2;
	_ =	strace s9  }
0x27: {  	s1 =	sld [smem:$0x3FAB]  }
0x28: {  	s2 =	sld [smem:$0x3FAC]  }
0x29: {  	s4 =	sld [smem:$0x3FAE]  }
0x2a: {  	p0 =	seq.s32 s5, $0x0;
	s5 =	sld [smem:$0x3FAF]  }
0x2b: {  	s6 =	sld [smem:$0x3FB0]  }
0x2c: {  	s7 =	sld [smem:$0x3FB1]  }
0x2d: {  	s3 =	simm.s32 $0x108;
	s8 =	sld [smem:$0x3FB2]  }
0x2e: {  	s3 =	simm.s32 @!p0 $0x1082;
	s9 =	sld [smem:$0x3FB3]  }
0x2f: {  	lr =	sadd.s32 s0, s3;
	s0 =	sld [smem:$0x3FAA]  }
0x30: {  	s3 =	sld [smem:$0x3FAD]  }
0x31: {  	[smem:$0x3FB6] =	sst s10  }
0x32: {  	s10 =	sld [smem:$0x3FB4];
	_ =	sdelay $0x3  }
0x33: {  	p0 =	seq.s32 s10, $0x1;
	s10 =	sld [smem:$0x3FB6];
	_ =	sdelay $0x3  }
0x34: {  	[smem:$0x3FB6] =	sst s10  }
0x35: {  	s10 =	sld [smem:$0x3FB5];
	_ =	sdelay $0x3  }
0x36: {  	p1 =	seq.s32 s10, $0x1;
	s10 =	sld [smem:$0x3FB6];
	_ =	sdelay $0x3  }
0x37: {  	[smem:$0x3FB6] =	sst s10  }
0x38: {  	s10 =	sld [smem:$0x3FB7]  }
0x39: {  	_ = 	snop;
	(pc) =	sbr.ind lr, $3  }
0x3a: {  	_ = 	snop  }
0x3b: {  	_ = 	snop  }
0x3c: {  	p2 =	seq.s32 s10, $0x1;
	s10 =	sld [smem:$0x3FB6]  }
0x3d: {  	_ =	shalt  }
0x3e: {  	_ =	shalt  }
0x3f: {  	_ =	shalt  }
0x40: {  	_ =	shalt  }
0x41: {  	_ =	shalt  }
0x42: {  	_ =	shalt  }
0x43: {  	_ =	shalt  }
0x44: {  	_ =	shalt  }
0x45: {  	_ =	shalt  }
0x46: {  	_ =	shalt  }
0x47: {  	_ =	shalt  }
0x48: {  	_ =	shalt  }
0x49: {  	_ =	shalt  }
0x4a: {  	_ =	shalt  }
0x4b: {  	_ =	shalt  }
0x4c: {  	_ =	shalt  }
0x4d: {  	_ =	shalt  }
0x4e: {  	_ =	shalt  }
0x4f: {  	_ =	shalt  }
0x50: {  	_ =	shalt  }
0x51: {  	_ =	shalt  }
0x52: {  	_ =	shalt  }
0x53: {  	_ =	shalt  }
0x54: {  	_ =	shalt  }
0x55: {  	_ =	shalt  }
0x56: {  	_ =	shalt  }
0x57: {  	_ =	shalt  }
0x58: {  	_ =	shalt  }
0x59: {  	_ =	shalt  }
0x5a: {  	_ =	shalt  }
0x5b: {  	_ =	shalt  }
0x5c: {  	_ =	shalt  }
0x5d: {  	_ =	shalt  }
0x5e: {  	_ =	shalt  }
0x5f: {  	_ =	shalt  }
0x60: {  	_ =	shalt  }
0x61: {  	_ =	shalt  }
0x62: {  	_ =	shalt  }
0x63: {  	_ =	shalt  }
0x64: {  	_ =	shalt  }
0x65: {  	_ =	shalt  }
0x66: {  	_ =	shalt  }
0x67: {  	_ =	shalt  }
0x68: {  	_ =	shalt  }
0x69: {  	_ =	shalt  }
0x6a: {  	_ =	shalt  }
0x6b: {  	_ =	shalt  }
0x6c: {  	_ =	shalt  }
0x6d: {  	_ =	shalt  }
0x6e: {  	_ =	shalt  }
0x6f: {  	_ =	shalt  }
0x70: {  	_ =	shalt  }
0x71: {  	_ =	shalt  }
0x72: {  	_ =	shalt  }
0x73: {  	_ =	shalt  }
0x74: {  	_ =	shalt  }
0x75: {  	_ =	shalt  }
0x76: {  	_ =	shalt  }
0x77: {  	_ =	shalt  }
0x78: {  	_ =	shalt  }
0x79: {  	_ =	shalt  }
0x7a: {  	_ =	shalt  }
0x7b: {  	_ =	shalt  }
0x7c: {  	_ =	shalt  }
0x7d: {  	_ =	shalt  }
0x7e: {  	_ =	shalt  }
0x7f: {  	_ =	shalt  }
0x80: {  	_ =	shalt  }
0x81: {  	_ =	shalt  }
0x82: {  	_ =	shalt  }
0x83: {  	_ =	shalt  }
0x84: {  	_ =	shalt  }
0x85: {  	_ =	shalt  }
0x86: {  	_ =	shalt  }
0x87: {  	_ =	shalt  }
.Lfunc_end0:
.L_simem_size_0:
called_computation.2_lowered:
.L_overlay_start_0:
0x88: {  	s2 =	sld [smem:$0x3FD9]  }
0x89: {  	s3 =	sld [smem:$0x3FFE];
	_ =	sdelay $0x1  }
0x8a: {  	s1 =	srdreg.scid  }
0x8b: {  	s0 =	sand.u32 $0x1, s1  }
0x8c: {  	s16 =	sshll.u32 s0, $0xA;
	s2 =	sadd.s32 s3, s2  }
0x8d: {  	s2 =	sadd.s32 s2, s16  }
0x8e: {  	[smem:$0x3FC2] =	sst s2  }
0x8f: {  	_ = 	snop  }
0x90: {  	(tm) =	ssettm $0x1  }
0x91: {  	s17 =	sld [smem:$0x3FFB];
	_ =	sdelay $0x3  }
0x92: {  	_ =	strace s17  }
0x93: {  	s2 =	sld [smem:$0x3FFC];
	_ =	sdelay $0x3  }
0x94: {  	_ =	strace s2  }
0x95: {  	s2 =	sld [smem:$0x3FFD];
	_ =	sdelay $0x3  }
0x96: {  	_ =	strace s2  }
0x97: {  	_ =	strace $0x8FFFFFFF  }
0x98: {  	s18 =	sld [smem:$0x3FDB];
	_ =	sdelay $0x1  }
0x99: {  	s19 =	simm.s32 $_scs_section_size  }
0x9a: {  	s4 =	simm.s32 $_size__tile_overlayer_lowered;
	s5 =	simm.s32 $_tile_overlayer_lowered  }
0x9b: {  	s22 =	simm.s32 $0x1BFF;
	s21 =	sshll.u32 s5, $0x1;
	s2 =	sadd.s32 s19, s18  }
0x9c: {  	s6 =	simm.s32 $0x0;
	s20 =	sshll.u32 s4, $0x1;
	s4 =	sadd.s32 s21, s2  }
0x9d: {  	[timem:s6], [sflag:s22] =	dma.local [hbm:s4], s20  }
0x9e: {  	_ =	swait.ge [sflag:s22], s20  }
0x9f: {  	s3 =	ssub.s32 $0x0, s20;
	[sflag:s22] =	ssyncset.done $0x0  }
0xa0: {  	[sflag:s22] =	ssyncadd.s32 s3;
	_ =	sdelay $0x1  }
0xa1: {  	s23 =	simm.s32 $0x1B8B  }
0xa2: {  	_ =	swait.ge [sflag:s23], $0x1  }
0xa3: {  	[sflag:s23] =	ssyncset.done $0x0  }
0xa4: {  	s25 =	simm.s32 $0x1B8E;
	s24 =	sld [smem:$0x3FFE];
	[sflag:s23] =	ssyncadd.s32 $0xFFFFFFFF  }
0xa5: {  	s26 =	simm.s32 $execute0_lowered;
	[smem:$0x3FD2] =	sst s25  }
0xa6: {  	s4 =	sshll.u32 s26, $0x1;
	_ =	strace $0x8000004C;
	[dreg:$0x1] =	wrdreg $0xFFFFFFFF  }
0xa7: {  	s28 =	simm.s32 $_size_execute0_lowered;
	s2 =	sadd.s32 s2, s4;
	[dreg:$0x0] =	wrdreg $0x0  }
0xa8: {  	s4 =	sshll.u32 s28, $0x1;
	[dreg:$0x2] =	wrdreg s2  }
0xa9: {  	[dreg:$0x3] =	wrdreg s4  }
0xaa: {  	[dreg:$0x4] =	wrdreg $0xC0  }
0xab: {  	_ =	task [dreg:s6], $0x5FFFF  }
0xac: {  	[dreg:$0x1] =	wrdreg $0xFFFFFFFF  }
0xad: {  	[dreg:$0x0] =	wrdreg $0x60  }
0xae: {  	[dreg:$0x2] =	wrdreg s24  }
0xaf: {  	[dreg:$0x3] =	wrdreg $0x5F000  }
0xb0: {  	[dreg:$0x4] =	wrdreg $0x9  }
0xb1: {  	_ =	task.clear_ibuf [dreg:s6], $0x5FFFF;
	_ =	strace $0x9000004C  }
0xb2: {  	s29 =	simm.s32 $0x9;
	_ =	strace $0x8000004E  }
0xb3: {  	_ =	swait.ge [sflag:s29], $0x1  }
0xb4: {  	[sflag:s29] =	ssyncadd.s32 $0xFFFFFFFF  }
0xb5: {  	_ =	strace $0x9000004E  }
0xb6: {  	_ =	sfence  }
0xb7: {  	s30 =	sld [smem:$0x0];
	_ =	sdelay $0x2  }
0xb8: {  	s31 =	sshll.u32 s1, $0xD;
	s1 =	sshrl.u32 s1, $0x2  }
0xb9: {  	s3 =	sand.u32 $0x4000, s31;
	s1 =	sadd.s32 s1, s30  }
0xba: {  	s0 =	sor.u32 s3, s0;
	s1 =	sshll.u32 s1, $0x11  }
0xbb: {  	s0 =	sor.u32 s1, s0  }
0xbc: {  	s0 =	sadd.s32 $0x8F2B, s0  }
0xbd: {  	[sflag:s0] =	ssyncadd.remote.s32 $0x1  }
0xbe: {  	_ =	sfence.sel $0xFFFF  }
0xbf: {  	[dreg:$0x0] =	wrdreg $0xFFFFFFFF;
	(pc) =	sbr.abs _section_cstart, $3  }
0xc0: {  	[dreg:$0x1] =	wrdreg $0xFFFFFFFF  }
0xc1: {  	_ =	task.clear_ibuf [dreg:s6], $0x2FFFF;
	_ =	strace $0x9FFFFFFF  }
0xc2: {  	(tm) =	ssettm $0x7FFFFFFF  }
0xc3: {  	_ =	shalt  }
tec
execute0_lowered:
.L_overlay_start_1:
0x0: {  	(tag) =	ssettag $0x1  }
0x1: {  	s1 =	srdreg.scid  }
0x2: {  	s0 =	stileid.u32;
	s6 =	rddreg [dreg:$0x0]  }
0x3: {  	s2 =	rddreg [dreg:$0x1];
	s3 =	simm.s32 $0x0;
	s16 =	simm.s32 $0x80  }
0x4: {  	s17 =	simm.s32 $0x4F00;
	s18 =	simm.s32 $0x5700;
	s19 =	simm.s32 $0x1  }
0x5: {  	s20 =	simm.s32 $0x2;
	s21 =	simm.s32 $0x2680;
	s22 =	simm.s32 $0x4D00  }
0x6: {  	s23 =	simm.s32 $0x4D80;
	s5 =	sand.u32 $0x1, s1;
	s1 =	rddreg [dreg:$0x2]  }
0x7: {  	s24 =	simm.s32 $0x0;
	s29 =	sshll.u32 s0, $0x1;
	[smem:$0x7FF] =	sst s3  }
0x8: {  	s10 =	sadd.s32 $0x1BA00, s6;
	s11 =	smul.u32 $0x2800, s0;
	s12 =	sadd.s32 $0x25A00, s6  }
0x9: {  	s13 =	sadd.s32 $0x20A00, s6;
	s31 =	sshll.u32 s0, $0x6;
	s4 =	sor.u32 s5, s29  }
0xa: {  	_ =	strace $0x8000004D;
	s30 =	ssub.s32 $0x2, s5;
	p0 =	seq.s32 s5, $0x0  }
0xb: {  	s7 =	smul.u32 $0x4E, s4;
	s4 =	smin.u32 s4, $0x4;
	s9 =	sshrl.u32 s30, $0x1  }
0xc: {  	s14 =	sadd.s32 s11, s2;
	s15 =	sshrl.u32 s11, $0x3;
	s13 =	smov.u32 @p0 s12  }
0xd: {  	s11 =	sor.u32 $0x1C03, s31;
	s9 =	ssub.s32 s30, s9;
	s12 =	sadd.s32 s13, s15  }
0xe: {  	s13 =	sshrl.u32 s14, $0x3;
	s14 =	simm.s32 $0x3;
	s4 =	sadd.s32 s4, s7  }
0xf: {  	s9 =	smax.u32 s9, $0x1;
	s7 =	sshll.u32 s4, $0x4;
	s4 =	sadd.s32 $0x16A00, s6  }
0x10: {  	s8 =	sadd.s32 s7, s6;
	s10 =	smov.u32 @p0 s4;
	p0 =	sgt.u32 s0, $0x1  }
0x11: {  	s5 =	sadd.s32 $0x3000, s8;
	s6 =	sadd.s32 $0xCC40, s8;
	s7 =	sadd.s32 $0x34E0, s8  }
0x12: {  	s8 =	sadd.s32 $0xD120, s8;
	s10 =	sadd.s32 s10, s15;
	s15 =	simm.s32 $0x2700  }
.LBB2_1:
0x13: {  	[spmem:s13], [sflag:s11] =	dma.local [hbm:s10], $0x500  }
0x14: {  	_ =	swait.ge [sflag:s14], $0x500  }
0x15: {  	[sflag:s14] =	ssyncset.done $0x0  }
0x16: {  	[sflag:s14] =	ssyncadd.s32 $0xFFFFFB00  }
0x17: {  	[bflag:$0x0] =	sbarrier.arrive $0xFFFF  }
0x18: {  	[tilespmem:s3], [sflag:$0x3] =	stream.linear.gather [hbm4b:s5+s3], $0x2700, $0x38;
	[tilespmem:$0x8700] =	vst v63  }
0x19: {  	_ =	swait.ge [sflag:s14], $0x2700  }
0x1a: {  	[sflag:s14] =	ssyncset.done $0x0  }
0x1b: {  	[sflag:s14] =	ssyncadd.s32 $0xFFFFD900  }
0x1c: {  	[tilespmem:s15], [sflag:$0x3] =	stream.linear.gather [hbm4b:s6+s3], $0x2700, $0x38;
	[tilespmem:$0x8700] =	vst v63  }
0x1d: {  	_ =	swait.ge [sflag:s14], $0x2700  }
0x1e: {  	[sflag:s14] =	ssyncset.done $0x0  }
0x1f: {  	[sflag:s14] =	ssyncadd.s32 $0xFFFFD900  }
0x20: {  	[tilespmem:s17], [sflag:$0x1] =	stream.indirect.gather [hbm4b:s4+s16], $0x10, s3, s16, $0xb8;
	[tilespmem:$0x8700] =	vst v63  }
0x21: {  	s25 =	simm.s32 $0x80  }
0x22: {  	[tilespmem:s18], [sflag:$0x2] =	stream.indirect.gather [hbm4b:s4+s16], $0x10, s25, s16, $0xb8;
	[tilespmem:$0x8700] =	vst v63  }
0x23: {  	_ =	swait.ge [sflag:s19], $0x800  }
0x24: {  	[sflag:s19] =	ssyncset.done $0x0  }
0x25: {  	s29 =	simm.s32 $0x2700;
	[sflag:s19] =	ssyncadd.s32 $0xFFFFF800  }
0x26: {  	[spmem:s2] =	stream.indirect.scatter.add.f32 [tilespmem:s17], [sflag:$0x3], $0x10, s29, s16, $0xb8;
	[tilespmem:$0x8700] =	vst v63  }
0x27: {  	_ =	swait.ge [sflag:s14], $0x800  }
0x28: {  	[sflag:s14] =	ssyncset.done $0x0  }
0x29: {  	s30 =	simm.s32 $0x100;
	[sflag:s14] =	ssyncadd.s32 $0xFFFFF800  }
0x2a: {  	[tilespmem:s17], [sflag:$0x1] =	stream.indirect.gather [hbm4b:s4+s16], $0x10, s30, s16, $0xb8;
	[tilespmem:$0x8700] =	vst v63  }
0x2b: {  	_ =	swait.ge [sflag:s20], $0x800  }
0x2c: {  	[sflag:s20] =	ssyncset.done $0x0  }
0x2d: {  	s31 =	simm.s32 $0x2780;
	[sflag:s20] =	ssyncadd.s32 $0xFFFFF800  }
0x2e: {  	[spmem:s2] =	stream.indirect.scatter.add.f32 [tilespmem:s18], [sflag:$0x3], $0x10, s31, s16, $0xb8;
	[tilespmem:$0x8700] =	vst v63  }
0x2f: {  	_ =	swait.ge [sflag:s14], $0x800  }
0x30: {  	s26 =	simm.s32 $0x800;
	s25 =	simm.s32 $0x100;
	[sflag:s14] =	ssyncset.done $0x0  }
.LBB2_2:
0x31: {  	s28 =	sadd.s32 $0x80, s25  }
0x32: {  	[sflag:s14] =	ssyncadd.s32 $0xFFFFF800;
	s29 =	smov.u32 s26;
	s30 =	sadd.s32 $0x400, s26  }
0x33: {  	[tilespmem:s18], [sflag:$0x2] =	stream.indirect.gather [hbm4b:s4+s16], $0x10, s28, s16, $0xb8;
	[tilespmem:$0x8700] =	vst v63  }
0x34: {  	p1 =	sne.s32 s26, $0x9400;
	_ =	swait.ge [sflag:s19], $0x800  }
0x35: {  	[sflag:s19] =	ssyncset.done $0x0  }
0x36: {  	s26 =	sadd.s32 $0x2700, s25;
	[sflag:s19] =	ssyncadd.s32 $0xFFFFF800  }
0x37: {  	[spmem:s2] =	stream.indirect.scatter.add.f32 [tilespmem:s17], [sflag:$0x3], $0x10, s26, s16, $0xb8;
	[tilespmem:$0x8700] =	vst v63  }
0x38: {  	_ =	swait.ge [sflag:s14], $0x800  }
0x39: {  	[sflag:s14] =	ssyncset.done $0x0  }
0x3a: {  	s26 =	sadd.s32 $0x100, s25;
	[sflag:s14] =	ssyncadd.s32 $0xFFFFF800  }
0x3b: {  	[tilespmem:s17], [sflag:$0x1] =	stream.indirect.gather [hbm4b:s4+s16], $0x10, s26, s16, $0xb8;
	[tilespmem:$0x8700] =	vst v63  }
0x3c: {  	_ =	swait.ge [sflag:s20], $0x800  }
.Ltmp0:
0x3d: {  	[sflag:s20] =	ssyncset.done $0x0;
	(pc) =	sbr.rel @p1 .LBB2_2-.Ltmp0, $4  }
0x3e: {  	s25 =	sadd.s32 $0x2780, s25;
	[sflag:s20] =	ssyncadd.s32 $0xFFFFF800  }
0x3f: {  	[spmem:s2] =	stream.indirect.scatter.add.f32 [tilespmem:s18], [sflag:$0x3], $0x10, s25, s16, $0xb8;
	[tilespmem:$0x8700] =	vst v63  }
0x40: {  	_ =	swait.ge [sflag:s14], $0x800  }
0x41: {  	s26 =	smov.u32 s30;
	s25 =	sshra.s32 s29, $0x2;
	[sflag:s14] =	ssyncset.done $0x0  }
0x42: {  	s26 =	sadd.s32 $0x80, s25;
	[sflag:s14] =	ssyncadd.s32 $0xFFFFF800  }
0x43: {  	[tilespmem:s18], [sflag:$0x2] =	stream.indirect.gather [hbm4b:s4+s16], $0x10, s26, s16, $0xb8;
	[tilespmem:$0x8700] =	vst v63  }
0x44: {  	_ =	swait.ge [sflag:s19], $0x800  }
0x45: {  	[sflag:s19] =	ssyncset.done $0x0  }
0x46: {  	s29 =	sadd.s32 $0x2700, s25;
	[sflag:s19] =	ssyncadd.s32 $0xFFFFF800  }
0x47: {  	[spmem:s2] =	stream.indirect.scatter.add.f32 [tilespmem:s17], [sflag:$0x3], $0x10, s29, s16, $0xb8;
	[tilespmem:$0x8700] =	vst v63  }
0x48: {  	_ =	swait.ge [sflag:s14], $0x800  }
0x49: {  	[sflag:s14] =	ssyncset.done $0x0  }
0x4a: {  	s30 =	sadd.s32 $0x100, s25;
	[sflag:s14] =	ssyncadd.s32 $0xFFFFF800  }
0x4b: {  	[tilespmem:s17], [sflag:$0x1] =	stream.indirect.gather [hbm4b:s4+s16], $0x10, s30, s16, $0xb8;
	[tilespmem:$0x8700] =	vst v63  }
0x4c: {  	_ =	swait.ge [sflag:s20], $0x800  }
0x4d: {  	[sflag:s20] =	ssyncset.done $0x0  }
0x4e: {  	s31 =	sadd.s32 $0x2780, s25;
	[sflag:s20] =	ssyncadd.s32 $0xFFFFF800  }
0x4f: {  	[spmem:s2] =	stream.indirect.scatter.add.f32 [tilespmem:s18], [sflag:$0x3], $0x10, s31, s16, $0xb8;
	[tilespmem:$0x8700] =	vst v63  }
0x50: {  	_ =	swait.ge [sflag:s14], $0x800  }
0x51: {  	[sflag:s14] =	ssyncset.done $0x0  }
0x52: {  	[sflag:s14] =	ssyncadd.s32 $0xFFFFF800  }
0x53: {  	[tilespmem:s18], [sflag:$0x2] =	stream.indirect.gather [hbm4b:s4+s16], $0x10, s21, s16, $0xb8;
	[tilespmem:$0x8700] =	vst v63  }
0x54: {  	_ =	swait.ge [sflag:s19], $0x800  }
0x55: {  	[sflag:s19] =	ssyncset.done $0x0  }
0x56: {  	[sflag:s19] =	ssyncadd.s32 $0xFFFFF800  }
0x57: {  	[spmem:s2] =	stream.indirect.scatter.add.f32 [tilespmem:s17], [sflag:$0x3], $0x10, s22, s16, $0xb8;
	[tilespmem:$0x8700] =	vst v63  }
0x58: {  	_ =	swait.ge [sflag:s14], $0x800  }
0x59: {  	[sflag:s14] =	ssyncset.done $0x0  }
0x5a: {  	[sflag:s14] =	ssyncadd.s32 $0xFFFFF800  }
0x5b: {  	_ =	swait.ge [sflag:s20], $0x800  }
0x5c: {  	[sflag:s20] =	ssyncset.done $0x0  }
0x5d: {  	[sflag:s20] =	ssyncadd.s32 $0xFFFFF800  }
0x5e: {  	[spmem:s2] =	stream.indirect.scatter.add.f32 [tilespmem:s18], [sflag:$0x3], $0x10, s23, s16, $0xb8;
	[tilespmem:$0x8700] =	vst v63  }
0x5f: {  	_ =	swait.ge [sflag:s14], $0x800  }
0x60: {  	s25 =	simm.s32 @!p0 $0x0;
	[sflag:s14] =	ssyncset.done $0x0  }
0x61: {  	s28 =	simm.s32 @!p0 $0x3;
	s26 =	simm.s32 @!p0 $0x4E00;
	[sflag:s14] =	ssyncadd.s32 $0xFFFFF800  }
0x62: {  	[tilespmem:s26], [sflag:$0x3] =	stream.linear.gather @!p0 [hbm4b:s7+s25], $0x80, $0x38;
	[tilespmem:$0x8700] =	vst v63  }
0x63: {  	_ =	swait.ge @!p0 [sflag:s28], $0x80  }
0x64: {  	[sflag:s28] =	ssyncset.done @!p0 $0x0  }
0x65: {  	s29 =	simm.s32 @!p0 $0x4E80;
	[sflag:s28] =	ssyncadd.s32 @!p0 $0xFFFFFF80  }
0x66: {  	[tilespmem:s29], [sflag:$0x3] =	stream.linear.gather @!p0 [hbm4b:s8+s25], $0x80, $0x38;
	[tilespmem:$0x8700] =	vst v63  }
0x67: {  	_ =	swait.ge @!p0 [sflag:s28], $0x80  }
0x68: {  	[sflag:s28] =	ssyncset.done @!p0 $0x0  }
0x69: {  	s30 =	simm.s32 @!p0 $0x4F00;
	s25 =	simm.s32 @!p0 $0x80;
	[sflag:s28] =	ssyncadd.s32 @!p0 $0xFFFFFF80  }
0x6a: {  	[tilespmem:s30], [sflag:$0x1] =	stream.indirect.gather @!p0 [hbm4b:s4+s25], $0x10, s26, s25, $0xb8;
	[tilespmem:$0x8700] =	vst v63  }
0x6b: {  	s26 =	simm.s32 @!p0 $0x1  }
0x6c: {  	_ =	swait.ge @!p0 [sflag:s26], $0x800  }
0x6d: {  	[sflag:s26] =	ssyncset.done @!p0 $0x0  }
0x6e: {  	[sflag:s26] =	ssyncadd.s32 @!p0 $0xFFFFF800  }
0x6f: {  	[spmem:s2] =	stream.indirect.scatter.add.f32 @!p0 [tilespmem:s30], [sflag:$0x3], $0x10, s29, s25, $0xb8;
	[tilespmem:$0x8700] =	vst v63  }
0x70: {  	_ =	swait.ge @!p0 [sflag:s28], $0x800  }
0x71: {  	s24 =	sadd.s32 $0x1, s24;
	[sflag:s28] =	ssyncset.done @!p0 $0x0  }
0x72: {  	p1 =	sne.s32 s24, s9;
	[sflag:s28] =	ssyncadd.s32 @!p0 $0xFFFFF800  }
.Ltmp1:
0x73: {  	[bflag:$0x0] =	sbarrier.arrive $0xFFFF;
	(pc) =	sbr.rel @p1 .LBB2_1-.Ltmp1, $4  }
0x74: {  	[hbm:s12], [sflag:s11] =	dma.local [spmem:s13], $0x500  }
0x75: {  	_ =	swait.ge [sflag:s14], $0x500  }
0x76: {  	[sflag:s14] =	ssyncset.done $0x0  }
0x77: {  	[sflag:s14] =	ssyncadd.s32 $0xFFFFFB00  }
0x78: {  	_ =	sfence.sel $0x180000  }
0x79: {  	[bflag:$0x0] =	sbarrier.arrive $0xFFFF  }
0x7a: {  	p0 =	sne.s32 s0, $0x0;
	_ =	strace $0x9000004D  }
0x7b: {  	s0 =	sadd.s32 @!p0 $0x100000, s1;
	[bflag:$0x2] =	sbarrier.arrive $0xFFFF  }
0x7c: {  	[sflag:s0] =	ssyncadd.tile.s32 @!p0 $0x1;
	_ =	shalt  }
.Lfunc_end2:
_tile_overlayer_lowered:
.L_overlay_start_2:
0x7d: {  	(tag) =	ssettag $0x2  }
0x7e: {  	s0 =	rddreg [dreg:$0x0];
	s2 =	stileid.u32  }
0x7f: {  	s1 =	rddreg [dreg:$0x1];
	p0 =	sne.s32 s2, $0x0  }
0x80: {  	s3 =	rddreg [dreg:$0x2];
	[bflag:$0x3] =	sbarrier.arrive $0xFFFF;
	s2 =	simm.s32 @!p0 $0x1C03  }
0x81: {  	[timem:s3], [sflag:s2] =	dma.local @!p0 [hbm:s0], s1  }
0x82: {  	s0 =	simm.s32 @!p0 $0x3  }
0x83: {  	_ =	swait.ge @!p0 [sflag:s0], s1  }
0x84: {  	s1 =	ssub.s32 @!p0 $0x0, s1;
	[sflag:s0] =	ssyncset.done @!p0 $0x0  }
0x85: {  	[sflag:s0] =	ssyncadd.s32 @!p0 s1  }
0x86: {  	[bflag:$0x3] =	sbarrier.arrive $0xFFFF  }
0x87: {  	_ =	shalt  }

// kernel: kernel.8.cloned.1.call-start
scs
__scs_entry_jumppad:
0x0: {  	(pc) =	sbr.rel $0x88, $3  }
0x1: {  	(tag) =	ssettag $0x0;
	lr =	simm.s32 $0x1  }
0x2: {  	[smem:$0x3F9B] =	sst lr;
	_ =	strace $0xD0000000  }
0x3: {  	_ = 	snop  }
0x4: {  	_ = 	snop  }
0x5: {  	_ = 	snop  }
0x6: {  	_ = 	snop  }
0x7: {  	_ = 	snop  }
__scs_overlays_trampoline_lowered:
0x8: {  	[smem:$0x3FAA] =	sst s0  }
0x9: {  	[smem:$0x3FAB] =	sst s1  }
0xa: {  	[smem:$0x3FAC] =	sst s2  }
0xb: {  	[smem:$0x3FAD] =	sst s3  }
0xc: {  	[smem:$0x3FAE] =	sst s4  }
0xd: {  	[smem:$0x3FAF] =	sst s5  }
0xe: {  	[smem:$0x3FB0] =	sst s6  }
0xf: {  	[smem:$0x3FB1] =	sst s7  }
0x10: {  	[smem:$0x3FB2] =	sst s8  }
0x11: {  	[smem:$0x3FB3] =	sst s9;
	s0 =	simm.s32 @!p0 $0x0  }
0x12: {  	s1 =	sld [smem:$0x3F99];
	s0 =	simm.s32 @p0 $0x1  }
0x13: {  	[smem:$0x3FB4] =	sst s0;
	s0 =	simm.s32 @!p1 $0x0  }
0x14: {  	s2 =	sld [smem:$0x3F98];
	s0 =	simm.s32 @p1 $0x1  }
0x15: {  	[smem:$0x3FB5] =	sst s0;
	s0 =	simm.s32 @!p2 $0x0  }
0x16: {  	s3 =	sld [smem:$0x3FDB];
	s0 =	simm.s32 @p2 $0x1  }
0x17: {  	s4 =	simm.s32 $0x1BF5;
	[smem:$0x3FB7] =	sst s0  }
0x18: {  	s0 =	sld [smem:$0x3F9A];
	_ =	swait.ge [sflag:s4], $0x0  }
0x19: {  	s7 =	sld [smem:$0x3F9B]  }
0x1a: {  	s8 =	sadd.s32 $0xFFFFE003, lr  }
0x1b: {  	s9 =	sadd.s32 $0xFFFFFEF7, lr;
	s5 =	simm.s32 $0xFFFFFFFF;
	p2 =	slt.u32 s8, $0xFFFFF086  }
0x1c: {  	p1 =	slt.u32 s9, $0xF7A;
	s5 =	simm.s32 @!p2 $0x0  }
0x1d: {  	s5 =	simm.s32 @p1 $0x1;
	p0 =	seq.s32 s7, s2  }
0x1e: {  	s7 =	smul.u32 @!p0 $0xF7A, s2;
	p2 =	seq.s32 @!p0 s5, $0x0  }
0x1f: {  	s9 =	smul.u32 $0xF7A, s1;
	s8 =	simm.s32 @!p0 $0x1BF5;
	p2 =	por !p2, p0  }
0x20: {  	[sflag:s8] =	ssyncset.s32 @!p0 $0xFFFFF086;
	s6 =	sadd.s32 @!p0 s3, s7;
	s7 =	simm.s32 @!p0 $0x108  }
0x21: {  	s3 =	sadd.s32 s3, s9;
	s6 =	sadd.s32 @!p0 $0x88, s6;
	s7 =	simm.s32 @p2 $0x1082  }
0x22: {  	[simem:s7], [sflag:s8] =	dma.local @!p0 [hbm:s6], $0xF7A  }
0x23: {  	s9 =	sor.u32 $0xD0000000, s2;
	s6 =	simm.s32 $0x108;
	_ =	swait.ge @!p0 [sflag:s8], $0x0  }
0x24: {  	s3 =	sadd.s32 $0x88, s3;
	s6 =	simm.s32 @!p1 $0x1082;
	[sflag:s4] =	ssyncset.s32 $0xFFFFF086  }
0x25: {  	[simem:s6], [sflag:s4] =	dma.local [hbm:s3], $0xF7A  }
0x26: {  	[smem:$0x3F9B] =	sst s1;
	(tag) =	ssettag s2;
	_ =	strace s9  }
0x27: {  	s1 =	sld [smem:$0x3FAB]  }
0x28: {  	s2 =	sld [smem:$0x3FAC]  }
0x29: {  	s4 =	sld [smem:$0x3FAE]  }
0x2a: {  	p0 =	seq.s32 s5, $0x0;
	s5 =	sld [smem:$0x3FAF]  }
0x2b: {  	s6 =	sld [smem:$0x3FB0]  }
0x2c: {  	s7 =	sld [smem:$0x3FB1]  }
0x2d: {  	s3 =	simm.s32 $0x108;
	s8 =	sld [smem:$0x3FB2]  }
0x2e: {  	s3 =	simm.s32 @!p0 $0x1082;
	s9 =	sld [smem:$0x3FB3]  }
0x2f: {  	lr =	sadd.s32 s0, s3;
	s0 =	sld [smem:$0x3FAA]  }
0x30: {  	s3 =	sld [smem:$0x3FAD]  }
0x31: {  	[smem:$0x3FB6] =	sst s10  }
0x32: {  	s10 =	sld [smem:$0x3FB4];
	_ =	sdelay $0x3  }
0x33: {  	p0 =	seq.s32 s10, $0x1;
	s10 =	sld [smem:$0x3FB6];
	_ =	sdelay $0x3  }
0x34: {  	[smem:$0x3FB6] =	sst s10  }
0x35: {  	s10 =	sld [smem:$0x3FB5];
	_ =	sdelay $0x3  }
0x36: {  	p1 =	seq.s32 s10, $0x1;
	s10 =	sld [smem:$0x3FB6];
	_ =	sdelay $0x3  }
0x37: {  	[smem:$0x3FB6] =	sst s10  }
0x38: {  	s10 =	sld [smem:$0x3FB7]  }
0x39: {  	_ = 	snop;
	(pc) =	sbr.ind lr, $3  }
0x3a: {  	_ = 	snop  }
0x3b: {  	_ = 	snop  }
0x3c: {  	p2 =	seq.s32 s10, $0x1;
	s10 =	sld [smem:$0x3FB6]  }
0x3d: {  	_ =	shalt  }
0x3e: {  	_ =	shalt  }
0x3f: {  	_ =	shalt  }
0x40: {  	_ =	shalt  }
0x41: {  	_ =	shalt  }
0x42: {  	_ =	shalt  }
0x43: {  	_ =	shalt  }
0x44: {  	_ =	shalt  }
0x45: {  	_ =	shalt  }
0x46: {  	_ =	shalt  }
0x47: {  	_ =	shalt  }
0x48: {  	_ =	shalt  }
0x49: {  	_ =	shalt  }
0x4a: {  	_ =	shalt  }
0x4b: {  	_ =	shalt  }
0x4c: {  	_ =	shalt  }
0x4d: {  	_ =	shalt  }
0x4e: {  	_ =	shalt  }
0x4f: {  	_ =	shalt  }
0x50: {  	_ =	shalt  }
0x51: {  	_ =	shalt  }
0x52: {  	_ =	shalt  }
0x53: {  	_ =	shalt  }
0x54: {  	_ =	shalt  }
0x55: {  	_ =	shalt  }
0x56: {  	_ =	shalt  }
0x57: {  	_ =	shalt  }
0x58: {  	_ =	shalt  }
0x59: {  	_ =	shalt  }
0x5a: {  	_ =	shalt  }
0x5b: {  	_ =	shalt  }
0x5c: {  	_ =	shalt  }
0x5d: {  	_ =	shalt  }
0x5e: {  	_ =	shalt  }
0x5f: {  	_ =	shalt  }
0x60: {  	_ =	shalt  }
0x61: {  	_ =	shalt  }
0x62: {  	_ =	shalt  }
0x63: {  	_ =	shalt  }
0x64: {  	_ =	shalt  }
0x65: {  	_ =	shalt  }
0x66: {  	_ =	shalt  }
0x67: {  	_ =	shalt  }
0x68: {  	_ =	shalt  }
0x69: {  	_ =	shalt  }
0x6a: {  	_ =	shalt  }
0x6b: {  	_ =	shalt  }
0x6c: {  	_ =	shalt  }
0x6d: {  	_ =	shalt  }
0x6e: {  	_ =	shalt  }
0x6f: {  	_ =	shalt  }
0x70: {  	_ =	shalt  }
0x71: {  	_ =	shalt  }
0x72: {  	_ =	shalt  }
0x73: {  	_ =	shalt  }
0x74: {  	_ =	shalt  }
0x75: {  	_ =	shalt  }
0x76: {  	_ =	shalt  }
0x77: {  	_ =	shalt  }
0x78: {  	_ =	shalt  }
0x79: {  	_ =	shalt  }
0x7a: {  	_ =	shalt  }
0x7b: {  	_ =	shalt  }
0x7c: {  	_ =	shalt  }
0x7d: {  	_ =	shalt  }
0x7e: {  	_ =	shalt  }
0x7f: {  	_ =	shalt  }
0x80: {  	_ =	shalt  }
0x81: {  	_ =	shalt  }
0x82: {  	_ =	shalt  }
0x83: {  	_ =	shalt  }
0x84: {  	_ =	shalt  }
0x85: {  	_ =	shalt  }
0x86: {  	_ =	shalt  }
0x87: {  	_ =	shalt  }
.Lfunc_end0:
.L_simem_size_0:
called_computation_lowered:
.L_overlay_start_0:
0x88: {  	s2 =	sld [smem:$0x3FD9]  }
0x89: {  	s3 =	sld [smem:$0x3FFE];
	_ =	sdelay $0x1  }
0x8a: {  	s1 =	srdreg.scid  }
0x8b: {  	s0 =	sand.u32 $0x1, s1  }
0x8c: {  	s17 =	sshll.u32 s0, $0xA;
	s2 =	sadd.s32 s3, s2  }
0x8d: {  	s2 =	sadd.s32 s2, s17  }
0x8e: {  	[smem:$0x3FC2] =	sst s2  }
0x8f: {  	_ = 	snop  }
0x90: {  	s2 =	sld [smem:$0x3FD0];
	(tm) =	ssettm $0x1  }
0x91: {  	s18 =	sld [smem:$0x3FFB];
	_ =	sdelay $0x3  }
0x92: {  	_ =	strace s18  }
0x93: {  	s3 =	sld [smem:$0x3FFC];
	_ =	sdelay $0x3  }
0x94: {  	_ =	strace s3  }
0x95: {  	s3 =	sld [smem:$0x3FFD];
	_ =	sdelay $0x3  }
0x96: {  	_ =	strace s3  }
0x97: {  	_ =	strace $0x8FFFFFFF  }
0x98: {  	s19 =	sld [smem:$0x3FDB];
	_ =	sdelay $0x1  }
0x99: {  	s4 =	simm.s32 $_scs_section_size  }
0x9a: {  	s5 =	simm.s32 $_size__tile_overlayer_lowered;
	s6 =	simm.s32 $_tile_overlayer_lowered  }
0x9b: {  	s22 =	simm.s32 $0x1BFF;
	s21 =	sshll.u32 s6, $0x1;
	s3 =	sadd.s32 s4, s19  }
0x9c: {  	s7 =	simm.s32 $0x0;
	s20 =	sshll.u32 s5, $0x1;
	s5 =	sadd.s32 s21, s3  }
0x9d: {  	[timem:s7], [sflag:s22] =	dma.local [hbm:s5], s20  }
0x9e: {  	_ =	swait.ge [sflag:s22], s20  }
0x9f: {  	s4 =	ssub.s32 $0x0, s20;
	[sflag:s22] =	ssyncset.done $0x0  }
0xa0: {  	[sflag:s22] =	ssyncadd.s32 s4;
	_ =	sdelay $0x1  }
0xa1: {  	s23 =	simm.s32 $0x1B8B  }
0xa2: {  	_ =	swait.ge [sflag:s23], $0x1  }
0xa3: {  	[sflag:s23] =	ssyncset.done $0x0  }
0xa4: {  	s25 =	simm.s32 $0x1B8E;
	s24 =	sld [smem:$0x3FFE];
	[sflag:s23] =	ssyncadd.s32 $0xFFFFFFFF  }
0xa5: {  	s26 =	simm.s32 $execute0_lowered;
	[smem:$0x3FD2] =	sst s25  }
0xa6: {  	s5 =	sshll.u32 s26, $0x1;
	_ =	strace $0x80000046;
	[dreg:$0x1] =	wrdreg $0xFFFFFFFF  }
0xa7: {  	s28 =	simm.s32 $_size_execute0_lowered;
	s3 =	sadd.s32 s3, s5;
	[dreg:$0x0] =	wrdreg $0x0  }
0xa8: {  	s5 =	sshll.u32 s28, $0x1;
	[dreg:$0x2] =	wrdreg s3  }
0xa9: {  	[dreg:$0x3] =	wrdreg s5  }
0xaa: {  	[dreg:$0x4] =	wrdreg $0xC0  }
0xab: {  	_ =	task [dreg:s7], $0x5FFFF  }
0xac: {  	[dreg:$0x1] =	wrdreg $0xFFFFFFFF  }
0xad: {  	[dreg:$0x0] =	wrdreg $0x60  }
0xae: {  	[dreg:$0x2] =	wrdreg s24  }
0xaf: {  	[dreg:$0x3] =	wrdreg s2  }
0xb0: {  	[dreg:$0x4] =	wrdreg $0x28000  }
0xb1: {  	[dreg:$0x5] =	wrdreg $0x9  }
0xb2: {  	_ =	task.clear_ibuf [dreg:s7], $0x6FFFF;
	_ =	strace $0x90000046  }
0xb3: {  	s29 =	simm.s32 $0x9;
	_ =	strace $0x80000048  }
0xb4: {  	_ =	swait.ge [sflag:s29], $0x1  }
0xb5: {  	[sflag:s29] =	ssyncadd.s32 $0xFFFFFFFF  }
0xb6: {  	_ =	strace $0x90000048  }
0xb7: {  	_ =	sfence  }
0xb8: {  	s30 =	sld [smem:$0x0];
	_ =	sdelay $0x2  }
0xb9: {  	s31 =	sshll.u32 s1, $0xD;
	s1 =	sshrl.u32 s1, $0x2  }
0xba: {  	s3 =	sand.u32 $0x4000, s31;
	s1 =	sadd.s32 s1, s30  }
0xbb: {  	s0 =	sor.u32 s3, s0;
	s1 =	sshll.u32 s1, $0x11  }
0xbc: {  	s0 =	sor.u32 s1, s0  }
0xbd: {  	s0 =	sadd.s32 $0x8F2B, s0  }
0xbe: {  	[sflag:s0] =	ssyncadd.remote.s32 $0x1  }
0xbf: {  	_ =	sfence.sel $0xFFFF  }
0xc0: {  	[dreg:$0x0] =	wrdreg $0xFFFFFFFF;
	(pc) =	sbr.abs _section_cstart, $3  }
0xc1: {  	[dreg:$0x1] =	wrdreg $0xFFFFFFFF  }
0xc2: {  	_ =	task.clear_ibuf [dreg:s7], $0x2FFFF;
	_ =	strace $0x9FFFFFFF  }
0xc3: {  	(tm) =	ssettm $0x7FFFFFFF  }
tec
execute0_lowered:
.L_overlay_start_1:
0x0: {  	(tag) =	ssettag $0x1  }
0x1: {  	s8 =	rddreg [dreg:$0x0]  }
0x2: {  	s1 =	srdreg.scid;
	s5 =	rddreg [dreg:$0x1]  }
0x3: {  	s0 =	stileid.u32;
	s2 =	rddreg [dreg:$0x2]  }
0x4: {  	s3 =	simm.s32 $0x0;
	s13 =	simm.s32 $0x17000;
	s14 =	simm.s32 $0x1  }
0x5: {  	s15 =	simm.s32 $0x0;
	s4 =	sand.u32 $0x1, s1;
	s1 =	rddreg [dreg:$0x3]  }
0x6: {  	s26 =	sshll.u32 s0, $0x1;
	[smem:$0x7FF] =	sst s3;
	s9 =	smul.u32 $0x280, s0  }
0x7: {  	s30 =	sshll.u32 s0, $0x6;
	s6 =	sor.u32 s4, s26;
	s28 =	ssub.s32 $0x2, s4  }
0x8: {  	_ =	strace $0x80000047;
	p0 =	seq.s32 s4, $0x1;
	s7 =	smul.u32 $0x4E, s6  }
0x9: {  	s6 =	smin.u32 s6, $0x4;
	s29 =	sshrl.u32 s28, $0x1;
	s12 =	sadd.s32 s9, s2  }
0xa: {  	s9 =	sshrl.u32 s9, $0x3;
	s13 =	simm.s32 @!p0 $0x16A00;
	p0 =	sgt.u32 s0, $0x1  }
0xb: {  	s11 =	ssub.s32 s28, s29;
	s4 =	sadd.s32 s5, s9;
	s6 =	sadd.s32 s6, s7  }
0xc: {  	s5 =	sor.u32 $0x1C02, s30;
	s31 =	sadd.s32 s13, s8;
	s6 =	sshll.u32 s6, $0x4  }
0xd: {  	s13 =	simm.s32 $0x2780;
	s9 =	sadd.s32 s31, s9;
	s10 =	sadd.s32 s6, s8  }
0xe: {  	s8 =	smax.u32 s11, $0x1;
	s11 =	simm.s32 $0x2;
	s6 =	sadd.s32 $0xCC40, s10  }
0xf: {  	v0 =	vimm.f32 $1.000000000e+00;
	s7 =	sadd.s32 $0xD120, s10;
	s10 =	sshrl.u32 s12, $0x3;
	s12 =	simm.s32 $0x80  }
.LBB2_1:
0x10: {  	[tilespmem:$0x2780] =	vst v0  }
0x11: {  	[tilespmem:$0x2790] =	vst v0  }
0x12: {  	[tilespmem:$0x27A0] =	vst v0  }
0x13: {  	[tilespmem:$0x27B0] =	vst v0  }
0x14: {  	[tilespmem:$0x27C0] =	vst v0  }
0x15: {  	[tilespmem:$0x27D0] =	vst v0  }
0x16: {  	[tilespmem:$0x27E0] =	vst v0  }
0x17: {  	[tilespmem:$0x27F0] =	vst v0  }
0x18: {  	[spmem:s10], [sflag:s5] =	dma.local [hbm:s4], $0x50  }
0x19: {  	_ =	swait.ge [sflag:s11], $0x50  }
0x1a: {  	[sflag:s11] =	ssyncset.done $0x0  }
0x1b: {  	[sflag:s11] =	ssyncadd.s32 $0xFFFFFFB0  }
0x1c: {  	[bflag:$0x0] =	sbarrier.arrive $0xFFFF  }
0x1d: {  	[tilespmem:s3], [sflag:$0x2] =	stream.linear.gather [hbm4b:s6+s3], $0x2700, $0x38;
	[tilespmem:$0x2A80] =	vst v63  }
0x1e: {  	_ =	swait.ge [sflag:s11], $0x2700  }
0x1f: {  	[sflag:s11] =	ssyncset.done $0x0  }
0x20: {  	s16 =	simm.s32 $0x200;
	s17 =	simm.s32 $0x0;
	[sflag:s11] =	ssyncadd.s32 $0xFFFFD900  }
.LBB2_2:
0x21: {  	[spmem:s2] =	stream.indirect.scatter.add.f32 [tilespmem:s13], [sflag:$0x1], $0x1, s17, s12, $0xb8;
	[tilespmem:$0x2A80] =	vst v63  }
0x22: {  	s17 =	smov.u32 s16;
	p1 =	sne.s32 s16, $0x9A00  }
.Ltmp0:
0x23: {  	s16 =	sadd.s32 $0x200, s16;
	(pc) =	sbr.rel @p1 .LBB2_2-.Ltmp0, $2  }
0x24: {  	_ =	sdelay $0x2  }
0x25: {  	s17 =	sshra.s32 s17, $0x2  }
0x26: {  	[spmem:s2] =	stream.indirect.scatter.add.f32 [tilespmem:s13], [sflag:$0x1], $0x1, s17, s12, $0xb8;
	[tilespmem:$0x2A80] =	vst v63  }
0x27: {  	s16 =	simm.s32 @!p0 $0x0;
	s17 =	simm.s32 @!p0 $0x2700  }
0x28: {  	[tilespmem:s17], [sflag:$0x2] =	stream.linear.gather @!p0 [hbm4b:s7+s16], $0x80, $0x38;
	[tilespmem:$0x2A80] =	vst v63  }
0x29: {  	s16 =	simm.s32 @!p0 $0x2  }
0x2a: {  	_ =	swait.ge @!p0 [sflag:s16], $0x80  }
0x2b: {  	[sflag:s16] =	ssyncset.done @!p0 $0x0  }
0x2c: {  	s18 =	simm.s32 @!p0 $0x2780;
	[sflag:s16] =	ssyncadd.s32 @!p0 $0xFFFFFF80;
	s16 =	simm.s32 @!p0 $0x80  }
0x2d: {  	[spmem:s2] =	stream.indirect.scatter.add.f32 @!p0 [tilespmem:s18], [sflag:$0x1], $0x1, s17, s16, $0xb8;
	[tilespmem:$0x2A80] =	vst v63  }
0x2e: {  	_ =	swait.ge [sflag:s14], $0x80  }
0x2f: {  	s16 =	simm.s32 $0x4D;
	[sflag:s14] =	ssyncset.done $0x0  }
.LBB2_4:
0x30: {  	p1 =	sne.s32 s16, $0x1;
	s16 =	sadd.s32 $0xFFFFFFFF, s16;
	[sflag:s14] =	ssyncadd.s32 $0xFFFFFF80  }
.Ltmp1:
0x31: {  	(pc) =	sbr.rel @p1 .LBB2_4-.Ltmp1, $3  }
0x32: {  	_ =	sdelay $0x1  }
0x33: {  	_ =	swait.ge [sflag:s14], $0x80  }
0x34: {  	[sflag:s14] =	ssyncset.done $0x0  }
0x35: {  	[sflag:s14] =	ssyncadd.s32 $0xFFFFFF80;
	s16 =	simm.s32 @!p0 $0x1  }
0x36: {  	_ =	swait.ge @!p0 [sflag:s16], $0x80  }
0x37: {  	s15 =	sadd.s32 $0x1, s15;
	[sflag:s16] =	ssyncset.done @!p0 $0x0  }
0x38: {  	p1 =	sne.s32 s15, s8;
	[sflag:s16] =	ssyncadd.s32 @!p0 $0xFFFFFF80  }
.Ltmp2:
0x39: {  	[bflag:$0x0] =	sbarrier.arrive $0xFFFF;
	(pc) =	sbr.rel @p1 .LBB2_1-.Ltmp2, $4  }
0x3a: {  	[hbm:s9], [sflag:s5] =	dma.local [spmem:s10], $0x50  }
0x3b: {  	_ =	swait.ge [sflag:s11], $0x50  }
0x3c: {  	[sflag:s11] =	ssyncset.done $0x0  }
0x3d: {  	[sflag:s11] =	ssyncadd.s32 $0xFFFFFFB0  }
0x3e: {  	_ =	sfence.sel $0x180000  }
0x3f: {  	[bflag:$0x0] =	sbarrier.arrive $0xFFFF  }
0x40: {  	p0 =	sne.s32 s0, $0x0;
	_ =	strace $0x90000047  }
0x41: {  	s0 =	sadd.s32 @!p0 $0x100000, s1;
	[bflag:$0x2] =	sbarrier.arrive $0xFFFF  }
0x42: {  	[sflag:s0] =	ssyncadd.tile.s32 @!p0 $0x1;
	_ =	shalt  }
.Lfunc_end2:
_tile_overlayer_lowered:
.L_overlay_start_2:
0x43: {  	(tag) =	ssettag $0x2  }
0x44: {  	s0 =	rddreg [dreg:$0x0];
	s2 =	stileid.u32  }
0x45: {  	s1 =	rddreg [dreg:$0x1];
	p0 =	sne.s32 s2, $0x0  }
0x46: {  	s3 =	rddreg [dreg:$0x2];
	[bflag:$0x3] =	sbarrier.arrive $0xFFFF;
	s2 =	simm.s32 @!p0 $0x1C02  }
0x47: {  	[timem:s3], [sflag:s2] =	dma.local @!p0 [hbm:s0], s1  }
0x48: {  	s0 =	simm.s32 @!p0 $0x2  }
0x49: {  	_ =	swait.ge @!p0 [sflag:s0], s1  }
0x4a: {  	s1 =	ssub.s32 @!p0 $0x0, s1;
	[sflag:s0] =	ssyncset.done @!p0 $0x0  }
0x4b: {  	[sflag:s0] =	ssyncadd.s32 @!p0 s1  }
0x4c: {  	[bflag:$0x3] =	sbarrier.arrive $0xFFFF  }
0x4d: {  	_ =	shalt  }

</sc_bundles>
